<compile_context>
chip_gen: v7x
topology: tpu7x:2x2x1
jax: 0.10.2.dev20260603
libtpu: 0.0.44.dev20260713+nightly
codegen_flags: <defaults>
</compile_context>

<pallas_src>
import jax
import jax.numpy as jnp
from jax import lax
from jax.experimental import pallas as pl
from jax.experimental.pallas import tpu as pltpu
from jax.experimental.pallas import tpu_sc as plsc

B, H, W = 16, 512, 1024
ROWS_PER_CHUNK = 32
NCHUNK = B * H // ROWS_PER_CHUNK
PROBE = 256
BIG = 1 << 30

_mesh = plsc.VectorSubcoreMesh(
    core_axis_name="c", subcore_axis_name="s", num_cores=1, num_subcores=16)


_SCRATCH = [
    pltpu.VMEM((PROBE,), jnp.float32),
    pltpu.VMEM((ROWS_PER_CHUNK, W), jnp.float32),
    pltpu.VMEM((16,), jnp.float32),
    pltpu.VMEM((96,), jnp.float32),
    pltpu.VMEM((32,), jnp.float32),
    pltpu.VMEM((32,), jnp.int32),
    pltpu.VMEM((16,), jnp.float32),
    pltpu.SMEM((8,), jnp.int32),
    pltpu.SemaphoreType.DMA,
]


def _one_pa_body(t_hbm, i_hbm, md_hbm, out_hbm,
                 buf_a, buf_b, md_v, ebuf6, ebuf, sbuf, out_v, sm, sem):
    cid = lax.axis_index("c")
    sid = lax.axis_index("s")
    is0 = (cid == 0) & (sid == 0)

    lane = lax.broadcasted_iota(jnp.int32, (16,), 0)
    bigv = jnp.zeros((16,), jnp.int32) + BIG

    d_md = pltpu.async_copy(md_hbm, md_v, sem)
    d_row = pltpu.async_copy(t_hbm.at[0, 0, pl.ds(0, PROBE)], buf_a, sem)
    d_md.wait()
    d_row.wait()
    md = md_v[...]

    sbuf[16:32] = bigv

    def redmin(x):
        r = x
        for sh in (8, 4, 2, 1):
            sbuf[0:16] = r
            r = jnp.minimum(r, sbuf[sh:sh + 16])
        return r[0]

    def merge3(a1, a2, a3, cand):
        t1 = jnp.minimum(a1, cand)
        h1 = jnp.maximum(a1, cand)
        t2 = jnp.minimum(a2, h1)
        h2 = jnp.maximum(a2, h1)
        return t1, t2, jnp.minimum(a3, h2)

    def first3(a1, a2, a3):
        m1 = redmin(a1)
        m2 = redmin(jnp.minimum(jnp.where(a1 > m1, a1, bigv), a2))
        m3 = redmin(jnp.minimum(
            jnp.minimum(jnp.where(a1 > m2, a1, bigv),
                        jnp.where(a2 > m2, a2, bigv)),
            a3))
        return m1, m2, m3

    def push(m1, m2, m3):
        n = sm[0]
        last = jnp.where(n == 0, -1,
                         jnp.where(n == 1, sm[1],
                                   jnp.where(n == 2, sm[2], sm[3])))
        for mk in (m1, m2, m3):
            ok = (mk < BIG) & (mk > last)
            sm[1] = jnp.where(ok & (n == 0), mk, sm[1])
            sm[2] = jnp.where(ok & (n == 1), mk, sm[2])
            sm[3] = jnp.where(ok & (n == 2), mk, sm[3])
            took = ok & (n < 3)
            n = n + took.astype(jnp.int32)
            last = jnp.where(took, mk, last)
        sm[0] = n

    sm[0] = jnp.where(is0, 0, 3).astype(jnp.int32)
    sm[1] = jnp.int32(0)
    sm[2] = jnp.int32(0)
    sm[3] = jnp.int32(0)

    @pl.when(sm[0] < 3)
    def _probe():
        def pstep(g, acc):
            a1, a2, a3 = acc
            cbase = g * 256
            for j in range(16):
                v = buf_a[pl.ds(cbase + j * 16, 16)]
                m = (v > 0.0) & (v < md)
                a1, a2, a3 = merge3(a1, a2, a3,
                                    jnp.where(m, cbase + (j * 16) + lane,
                                              bigv))
            return (a1, a2, a3)

        a1, a2, a3 = lax.fori_loop(0, PROBE // 256, pstep, (bigv, bigv, bigv))
        push(*first3(a1, a2, a3))

    @pl.when(sm[0] < 3)
    def _full_scan():
        def _scan_chunk(ci, carry):
            @pl.when(sm[0] < 3)
            def _():
                b = ci >> 4
                row0 = (ci & 15) * ROWS_PER_CHUNK
                base = (b * H + row0) * W
                pltpu.sync_copy(
                    t_hbm.at[b,
                             pl.ds(pl.multiple_of(row0, 8), ROWS_PER_CHUNK),
                             :],
                    buf_b)

                def step(g, acc):
                    a1, a2, a3 = acc
                    r = g >> 2
                    cbase = (g & 3) * 256
                    gb = base + r * W + cbase
                    for j in range(16):
                        v = buf_b[r, pl.ds(cbase + j * 16, 16)]
                        m = (v > 0.0) & (v < md)
                        gi = gb + (j * 16) + lane
                        a1, a2, a3 = merge3(a1, a2, a3,
                                            jnp.where(m, gi, bigv))
                    return (a1, a2, a3)

                a1, a2, a3 = lax.fori_loop(
                    0, ROWS_PER_CHUNK * 4, step, (bigv, bigv, bigv))
                push(*first3(a1, a2, a3))
            return carry

        lax.fori_loop(0, NCHUNK, _scan_chunk, jnp.int32(0))

    @pl.when(is0)
    def _finish():
        l0, l1, l2 = sm[1], sm[2], sm[3]
        a0, b0, c0 = l0 >> 19, (l0 >> 10) & 511, l0 & 1023
        a1_, b1, c1 = l1 >> 19, (l1 >> 10) & 511, l1 & 1023
        a2_, b2, c2 = l2 >> 19, (l2 >> 10) & 511, l2 & 1023

        r1x = jnp.minimum(b0, B - 1)
        r2x = jnp.minimum(c0, B - 1)
        r2y = jnp.minimum(c1, H - 1)

        reads = [
            (t_hbm, a0, a1_, a2_, False),
            (i_hbm, a0, a1_, a2_, True),
            (t_hbm, r1x, b1, b2, False),
            (i_hbm, r1x, b1, b2, True),
            (t_hbm, r2x, r2y, c2, False),
            (i_hbm, r2x, r2y, c2, True),
        ]
        descs, offs = [], []
        for k, (hbm, bb, rr, cc, is4d) in enumerate(reads):
            cb = pl.multiple_of((cc >> 4) << 4, 16)
            offs.append(cc - cb)
            src = (hbm.at[bb, 0, rr, pl.ds(cb, 16)] if is4d
                   else hbm.at[bb, rr, pl.ds(cb, 16)])
            descs.append(
                pltpu.async_copy(src, ebuf6.at[pl.ds(k * 16, 16)], sem))
        for d in descs:
            d.wait()
        vals = []
        for k in range(6):
            ebuf[0:16] = ebuf6[k * 16:(k + 1) * 16]
            vals.append(ebuf[pl.ds(offs[k], 16)][0])
        t0, i0, t1, i1, t2, i2 = vals

        val0 = jnp.abs(t0 - i0)
        val1 = jnp.abs(t1 - i1)
        val2 = jnp.abs(t2 - i2)

        inb1 = b0 < B
        inb2 = (c0 < B) & (c1 < H)

        def eq3(x0, x1, x2, y0, y1, y2):
            return (x0 == y0) & (x1 == y1) & (x2 == y2)

        w1 = inb1 | eq3(a0, a1_, a2_, r1x, b1, b2) | (
            inb2 & eq3(c0, c1, c2, r1x, b1, b2))
        w2 = inb2 | eq3(a0, a1_, a2_, r2x, r2y, c2) | (
            inb1 & eq3(b0, b1, b2, r2x, r2y, c2))

        d0 = val0
        d1 = jnp.where(w1, val1, t1)
        d2 = jnp.where(w2, val2, t2)

        hits = ((d0 < 1.0).astype(jnp.float32)
                + (d1 < 1.0).astype(jnp.float32)
                + (d2 < 1.0).astype(jnp.float32))
        res = (1.0 - hits * (1.0 / 3.0)) * 100.0
        out_v[...] = jnp.zeros((16,), jnp.float32) + res
        pltpu.sync_copy(out_v, out_hbm)


_one_pa_sc = pl.kernel(
    _one_pa_body,
    mesh=_mesh,
    out_type=jax.ShapeDtypeStruct((16,), jnp.float32),
    compiler_params=pltpu.CompilerParams(
        use_tc_tiling_on_sc=True, skip_device_barrier=True),
    scratch_types=_SCRATCH,
)


def kernel(input, target, maxdisp):
    md = jnp.broadcast_to(jnp.asarray(maxdisp, jnp.float32), (16,))
    out = _one_pa_sc(target, input, md)
    return out[0]

# --- scband reference (transcript-rebuilt; emitter-appended) ---
"""Pipeline reference for scband-one-pa-22445499089549 (READ-ONLY COPY).

The authoritative reference and input builder live on the scoring server;
editing this copy changes nothing except your own understanding.
"""

import jax, jax.numpy as jnp
import numpy as np

def setup_inputs(seed: int = 0):
    key = jax.random.key(seed)
    k1, k2 = jax.random.split(key)
    inp = jax.random.normal(k1, (16, 1, 512, 1024), dtype=jnp.float32)
    target = jax.random.uniform(k2, (16, 512, 1024), dtype=jnp.float32)
    return {"input": inp, "target": target, "maxdisp": 192}

def reference(input, target, maxdisp):
    # input: [B, 1, H, W] -> squeeze channel dim, as in torch forward
    inp = jnp.squeeze(input, axis=1)
    true_disp = target  # deepcopy equivalent: jax arrays are immutable; .at produces a copy
    # Faithful replication of the original (buggy, PSMNet-style) indexing:
    # np.argwhere returns (K, 3); the torch code uses ROWS 0,1,2 of that array
    # (coords of the first three matches), each of length ndim=3.
    mask = (true_disp > 0) & (true_disp < maxdisp)
    ii, jj, kk = jnp.nonzero(mask, size=3)  # first 3 matches in row-major order
    a = jnp.stack([ii[0], jj[0], kk[0]])  # coords of match 0, length 3
    b = jnp.stack([ii[1], jj[1], kk[1]])  # coords of match 1, length 3
    c = jnp.stack([ii[2], jj[2], kk[2]])  # coords of match 2, length 3
    vals = jnp.abs(target[a, b, c] - inp[a, b, c])
    true_disp = true_disp.at[a, b, c].set(vals)
    correct_1 = true_disp[a, b, c] < 1
    n = float(mask.ndim)  # == 3 (ndim), matching float(len(index[0])) in torch code
    return (1.0 - jnp.sum(correct_1).astype(jnp.float32) / n) * 100.0

if __name__ == "__main__":
    import jax
    _d = setup_inputs()
    print(jax.jit(kernel)(*tuple(_d.values())))

</pallas_src>

<mosaic_0001>
#map = affine_map<(d0, d1) -> (0, 0, 0)>
#map1 = affine_map<(d0, d1) -> (0, 0, 0, 0)>
#map2 = affine_map<(d0, d1) -> (0)>
module attributes {stable_mosaic.version = 14 : i64} {
  func.func @_one_pa_body(%arg0: i32, %arg1: i32, %arg2: memref<16x512x1024xf32, #tpu.memory_space<hbm>>, %arg3: memref<16x1x512x1024xf32, #tpu.memory_space<hbm>>, %arg4: memref<16xf32, #tpu.memory_space<hbm>>, %arg5: memref<16xf32, #tpu.memory_space<hbm>>, %arg6: memref<256xf32, #tpu.memory_space<vmem>>, %arg7: memref<32x1024xf32, #tpu.memory_space<vmem>>, %arg8: memref<16xf32, #tpu.memory_space<vmem>>, %arg9: memref<96xf32, #tpu.memory_space<vmem>>, %arg10: memref<32xf32, #tpu.memory_space<vmem>>, %arg11: memref<32xi32, #tpu.memory_space<vmem>>, %arg12: memref<16xf32, #tpu.memory_space<vmem>>, %arg13: memref<8xi32, #tpu.memory_space<smem>>, %arg14: memref<!tpu.dma_semaphore, #tpu.memory_space<semaphore_mem>>) attributes {dimension_semantics = [#tpu.dimension_semantics<core_parallel>, #tpu.dimension_semantics<subcore_parallel>], iteration_bounds = array<i64: 1, 16>, scalar_prefetch = 0 : i64, scratch_operands = 9 : i64, tpu.core_type = #tpu.core_type<sc_vector_subcore>, window_params = [{transform_indices = #map}, {transform_indices = #map1}, {transform_indices = #map2}, {transform_indices = #map2}]} {
    %eq3A = arith.constant 0 : i32
    %eq3A_0 = arith.cmpi eq, %arg0, %eq3A : i32
    %eq3A_1 = arith.constant 0 : i32
    %eq3A_2 = arith.cmpi eq, %arg1, %eq3A_1 : i32
    %and3A = arith.andi %eq3A_0, %eq3A_2 : i1
    %iota3A = tpu.iota {dimensions = array<i32: 0>} : vector<16xi32>
    %broadcast_in_dim3A = arith.constant 0 : i32
    %broadcast_in_dim3A_3 = vector.broadcast %broadcast_in_dim3A : i32 to vector<16xi32>
    %add3A = arith.constant 1073741824 : i32
    %add3A_4 = vector.broadcast %add3A : i32 to vector<16xi32>
    %add3A_5 = arith.addi %broadcast_in_dim3A_3, %add3A_4 : vector<16xi32>
    tpu.enqueue_dma source(%arg4 : memref<16xf32, #tpu.memory_space<hbm>>) target(%arg8 : memref<16xf32, #tpu.memory_space<vmem>>) target_semaphore(%arg14 : memref<!tpu.dma_semaphore, #tpu.memory_space<semaphore_mem>>)
    %dma_start3A = arith.constant 0 : i32
    %dma_start3A_6 = arith.constant 0 : i32
    %dma_start3A_7 = arith.constant 0 : i32
    %dma_start3A_8 = tpu.memref_slice %arg2[%dma_start3A, %dma_start3A_6, %dma_start3A_7] : memref<16x512x1024xf32, #tpu.memory_space<hbm>> -> memref<1x1x256xf32, #tpu.memory_space<hbm>>
    %dma_start3A_9 = tpu.memref_squeeze %dma_start3A_8 : memref<1x1x256xf32, #tpu.memory_space<hbm>> -> memref<256xf32, #tpu.memory_space<hbm>>
    %dma_start3A_10 = arith.constant 0 : i32
    %dma_start3A_11 = tpu.memref_slice %arg2[%dma_start3A, %dma_start3A_6, %dma_start3A_10] : memref<16x512x1024xf32, #tpu.memory_space<hbm>> -> memref<1x1x256xf32, #tpu.memory_space<hbm>>
    %dma_start3A_12 = tpu.memref_squeeze %dma_start3A_11 : memref<1x1x256xf32, #tpu.memory_space<hbm>> -> memref<256xf32, #tpu.memory_space<hbm>>
    tpu.enqueue_dma source(%dma_start3A_12 : memref<256xf32, #tpu.memory_space<hbm>>) target(%arg6 : memref<256xf32, #tpu.memory_space<vmem>>) target_semaphore(%arg14 : memref<!tpu.dma_semaphore, #tpu.memory_space<semaphore_mem>>)
    tpu.wait_dma2 semaphore(%arg14 : memref<!tpu.dma_semaphore, #tpu.memory_space<semaphore_mem>>) src(%arg4 : memref<16xf32, #tpu.memory_space<hbm>>) dst(%arg8 : memref<16xf32, #tpu.memory_space<vmem>>)
    %dma_wait3A = arith.constant 0 : i32
    %dma_wait3A_13 = arith.constant 0 : i32
    %dma_wait3A_14 = arith.constant 0 : i32
    %dma_wait3A_15 = tpu.memref_slice %arg2[%dma_wait3A, %dma_wait3A_13, %dma_wait3A_14] : memref<16x512x1024xf32, #tpu.memory_space<hbm>> -> memref<1x1x256xf32, #tpu.memory_space<hbm>>
    %dma_wait3A_16 = tpu.memref_squeeze %dma_wait3A_15 : memref<1x1x256xf32, #tpu.memory_space<hbm>> -> memref<256xf32, #tpu.memory_space<hbm>>
    %dma_wait3A_17 = arith.constant 0 : i32
    %dma_wait3A_18 = tpu.memref_slice %arg2[%dma_wait3A, %dma_wait3A_13, %dma_wait3A_17] : memref<16x512x1024xf32, #tpu.memory_space<hbm>> -> memref<1x1x256xf32, #tpu.memory_space<hbm>>
    %dma_wait3A_19 = tpu.memref_squeeze %dma_wait3A_18 : memref<1x1x256xf32, #tpu.memory_space<hbm>> -> memref<256xf32, #tpu.memory_space<hbm>>
    tpu.wait_dma2 semaphore(%arg14 : memref<!tpu.dma_semaphore, #tpu.memory_space<semaphore_mem>>) src(%dma_wait3A_19 : memref<256xf32, #tpu.memory_space<hbm>>) dst(%arg6 : memref<256xf32, #tpu.memory_space<vmem>>)
    %get3A = arith.constant 0 : index
    %get3A_20 = tpu.vector_load %arg8[%get3A] {strides = array<i32>} : memref<16xf32, #tpu.memory_space<vmem>>, vector<16xf32>,
    %get3A_21 = vector.shape_cast %get3A_20 : vector<16xf32> to vector<16xf32>
    %swap3A = arith.constant 16 : index
    %swap3A_22 = tpu.vector_load %arg11[%swap3A] {strides = array<i32>} : memref<32xi32, #tpu.memory_space<vmem>>, vector<16xi32>,
    %swap3A_23 = vector.shape_cast %swap3A_22 : vector<16xi32> to vector<16xi32>
    %swap3A_24 = vector.shape_cast %add3A_5 : vector<16xi32> to vector<16xi32>
    tpu.vector_store %arg11[%swap3A], %swap3A_24 {strides = array<i32>} : memref<32xi32, #tpu.memory_space<vmem>>, vector<16xi32>,
    %jit3A = arith.constant 0 : i32
    %jit3A_25 = arith.constant 3 : i32
    %select_n3A = arith.select %and3A, %jit3A, %jit3A_25 : i32
    %swap3A_26 = arith.constant 0 : i32
    %swap3A_27 = arith.index_cast %swap3A_26 : i32 to index
    %swap3A_28 = memref.load %arg13[%swap3A_27] : memref<8xi32, #tpu.memory_space<smem>>
    memref.store %select_n3A, %arg13[%swap3A_27] : memref<8xi32, #tpu.memory_space<smem>>
    %swap3A_29 = arith.constant 0 : i32
    %swap3A_30 = arith.constant 1 : i32
    %swap3A_31 = arith.index_cast %swap3A_30 : i32 to index
    %swap3A_32 = memref.load %arg13[%swap3A_31] : memref<8xi32, #tpu.memory_space<smem>>
    memref.store %swap3A_29, %arg13[%swap3A_31] : memref<8xi32, #tpu.memory_space<smem>>
    %swap3A_33 = arith.constant 0 : i32
    %swap3A_34 = arith.constant 2 : i32
    %swap3A_35 = arith.index_cast %swap3A_34 : i32 to index
    %swap3A_36 = memref.load %arg13[%swap3A_35] : memref<8xi32, #tpu.memory_space<smem>>
    memref.store %swap3A_33, %arg13[%swap3A_35] : memref<8xi32, #tpu.memory_space<smem>>
    %swap3A_37 = arith.constant 0 : i32
    %swap3A_38 = arith.constant 3 : i32
    %swap3A_39 = arith.index_cast %swap3A_38 : i32 to index
    %swap3A_40 = memref.load %arg13[%swap3A_39] : memref<8xi32, #tpu.memory_space<smem>>
    memref.store %swap3A_37, %arg13[%swap3A_39] : memref<8xi32, #tpu.memory_space<smem>>
    %get3A_41 = arith.constant 0 : i32
    %get3A_42 = arith.index_cast %get3A_41 : i32 to index
    %get3A_43 = memref.load %arg13[%get3A_42] : memref<8xi32, #tpu.memory_space<smem>>
    %lt3A = arith.constant 3 : i32
    %lt3A_44 = arith.cmpi slt, %get3A_43, %lt3A : i32
    %convert_element_type3A = arith.extui %lt3A_44 : i1 to i32
    %cond3A = arith.constant 0 : i32
    %cond3A_45 = arith.cmpi ne, %convert_element_type3A, %cond3A : i32
    scf.if %cond3A_45 {
      %scan3A = arith.constant 0 : i32
      %mul3A = arith.constant 256 : i32
      %mul3A_57 = arith.muli %scan3A, %mul3A : i32
      %add3A_58 = arith.constant 0 : i32
      %add3A_59 = arith.addi %mul3A_57, %add3A_58 : i32
      %get3A_60 = arith.index_cast %add3A_59 : i32 to index
      %get3A_61 = tpu.vector_load %arg6[%get3A_60] {strides = array<i32>} : memref<256xf32, #tpu.memory_space<vmem>>, vector<16xf32>,
      %get3A_62 = vector.shape_cast %get3A_61 : vector<16xf32> to vector<16xf32>
      %gt3A = arith.constant 0.000000e+00 : f32
      %gt3A_63 = vector.broadcast %gt3A : f32 to vector<16xf32>
      %gt3A_64 = arith.cmpf ogt, %get3A_62, %gt3A_63 : vector<16xf32>
      %lt3A_65 = arith.cmpf olt, %get3A_62, %get3A_21 : vector<16xf32>
      %and3A_66 = arith.andi %gt3A_64, %lt3A_65 : vector<16xi1>
      %add3A_67 = arith.constant 0 : i32
      %add3A_68 = arith.addi %mul3A_57, %add3A_67 : i32
      %add3A_69 = vector.broadcast %add3A_68 : i32 to vector<16xi32>
      %add3A_70 = arith.addi %add3A_69, %iota3A : vector<16xi32>
      %select_n3A_71 = arith.select %and3A_66, %add3A_70, %add3A_5 : vector<16xi1>, vector<16xi32>
      %min3A = arith.minsi %add3A_5, %select_n3A_71 : vector<16xi32>
      %max3A = arith.maxsi %add3A_5, %select_n3A_71 : vector<16xi32>
      %min3A_72 = arith.minsi %add3A_5, %max3A : vector<16xi32>
      %max3A_73 = arith.maxsi %add3A_5, %max3A : vector<16xi32>
      %min3A_74 = arith.minsi %add3A_5, %max3A_73 : vector<16xi32>
      %add3A_75 = arith.constant 16 : i32
      %add3A_76 = arith.addi %mul3A_57, %add3A_75 : i32
      %get3A_77 = arith.index_cast %add3A_76 : i32 to index
      %get3A_78 = tpu.vector_load %arg6[%get3A_77] {strides = array<i32>} : memref<256xf32, #tpu.memory_space<vmem>>, vector<16xf32>,
      %get3A_79 = vector.shape_cast %get3A_78 : vector<16xf32> to vector<16xf32>
      %gt3A_80 = arith.constant 0.000000e+00 : f32
      %gt3A_81 = vector.broadcast %gt3A_80 : f32 to vector<16xf32>
      %gt3A_82 = arith.cmpf ogt, %get3A_79, %gt3A_81 : vector<16xf32>
      %lt3A_83 = arith.cmpf olt, %get3A_79, %get3A_21 : vector<16xf32>
      %and3A_84 = arith.andi %gt3A_82, %lt3A_83 : vector<16xi1>
      %add3A_85 = arith.constant 16 : i32
      %add3A_86 = arith.addi %mul3A_57, %add3A_85 : i32
      %add3A_87 = vector.broadcast %add3A_86 : i32 to vector<16xi32>
      %add3A_88 = arith.addi %add3A_87, %iota3A : vector<16xi32>
      %select_n3A_89 = arith.select %and3A_84, %add3A_88, %add3A_5 : vector<16xi1>, vector<16xi32>
      %min3A_90 = arith.minsi %min3A, %select_n3A_89 : vector<16xi32>
      %max3A_91 = arith.maxsi %min3A, %select_n3A_89 : vector<16xi32>
      %min3A_92 = arith.minsi %min3A_72, %max3A_91 : vector<16xi32>
      %max3A_93 = arith.maxsi %min3A_72, %max3A_91 : vector<16xi32>
      %min3A_94 = arith.minsi %min3A_74, %max3A_93 : vector<16xi32>
      %add3A_95 = arith.constant 32 : i32
      %add3A_96 = arith.addi %mul3A_57, %add3A_95 : i32
      %get3A_97 = arith.index_cast %add3A_96 : i32 to index
      %get3A_98 = tpu.vector_load %arg6[%get3A_97] {strides = array<i32>} : memref<256xf32, #tpu.memory_space<vmem>>, vector<16xf32>,
      %get3A_99 = vector.shape_cast %get3A_98 : vector<16xf32> to vector<16xf32>
      %gt3A_100 = arith.constant 0.000000e+00 : f32
      %gt3A_101 = vector.broadcast %gt3A_100 : f32 to vector<16xf32>
      %gt3A_102 = arith.cmpf ogt, %get3A_99, %gt3A_101 : vector<16xf32>
      %lt3A_103 = arith.cmpf olt, %get3A_99, %get3A_21 : vector<16xf32>
      %and3A_104 = arith.andi %gt3A_102, %lt3A_103 : vector<16xi1>
      %add3A_105 = arith.constant 32 : i32
      %add3A_106 = arith.addi %mul3A_57, %add3A_105 : i32
      %add3A_107 = vector.broadcast %add3A_106 : i32 to vector<16xi32>
      %add3A_108 = arith.addi %add3A_107, %iota3A : vector<16xi32>
      %select_n3A_109 = arith.select %and3A_104, %add3A_108, %add3A_5 : vector<16xi1>, vector<16xi32>
      %min3A_110 = arith.minsi %min3A_90, %select_n3A_109 : vector<16xi32>
      %max3A_111 = arith.maxsi %min3A_90, %select_n3A_109 : vector<16xi32>
      %min3A_112 = arith.minsi %min3A_92, %max3A_111 : vector<16xi32>
      %max3A_113 = arith.maxsi %min3A_92, %max3A_111 : vector<16xi32>
      %min3A_114 = arith.minsi %min3A_94, %max3A_113 : vector<16xi32>
      %add3A_115 = arith.constant 48 : i32
      %add3A_116 = arith.addi %mul3A_57, %add3A_115 : i32
      %get3A_117 = arith.index_cast %add3A_116 : i32 to index
      %get3A_118 = tpu.vector_load %arg6[%get3A_117] {strides = array<i32>} : memref<256xf32, #tpu.memory_space<vmem>>, vector<16xf32>,
      %get3A_119 = vector.shape_cast %get3A_118 : vector<16xf32> to vector<16xf32>
      %gt3A_120 = arith.constant 0.000000e+00 : f32
      %gt3A_121 = vector.broadcast %gt3A_120 : f32 to vector<16xf32>
      %gt3A_122 = arith.cmpf ogt, %get3A_119, %gt3A_121 : vector<16xf32>
      %lt3A_123 = arith.cmpf olt, %get3A_119, %get3A_21 : vector<16xf32>
      %and3A_124 = arith.andi %gt3A_122, %lt3A_123 : vector<16xi1>
      %add3A_125 = arith.constant 48 : i32
      %add3A_126 = arith.addi %mul3A_57, %add3A_125 : i32
      %add3A_127 = vector.broadcast %add3A_126 : i32 to vector<16xi32>
      %add3A_128 = arith.addi %add3A_127, %iota3A : vector<16xi32>
      %select_n3A_129 = arith.select %and3A_124, %add3A_128, %add3A_5 : vector<16xi1>, vector<16xi32>
      %min3A_130 = arith.minsi %min3A_110, %select_n3A_129 : vector<16xi32>
      %max3A_131 = arith.maxsi %min3A_110, %select_n3A_129 : vector<16xi32>
      %min3A_132 = arith.minsi %min3A_112, %max3A_131 : vector<16xi32>
      %max3A_133 = arith.maxsi %min3A_112, %max3A_131 : vector<16xi32>
      %min3A_134 = arith.minsi %min3A_114, %max3A_133 : vector<16xi32>
      %add3A_135 = arith.constant 64 : i32
      %add3A_136 = arith.addi %mul3A_57, %add3A_135 : i32
      %get3A_137 = arith.index_cast %add3A_136 : i32 to index
      %get3A_138 = tpu.vector_load %arg6[%get3A_137] {strides = array<i32>} : memref<256xf32, #tpu.memory_space<vmem>>, vector<16xf32>,
      %get3A_139 = vector.shape_cast %get3A_138 : vector<16xf32> to vector<16xf32>
      %gt3A_140 = arith.constant 0.000000e+00 : f32
      %gt3A_141 = vector.broadcast %gt3A_140 : f32 to vector<16xf32>
      %gt3A_142 = arith.cmpf ogt, %get3A_139, %gt3A_141 : vector<16xf32>
      %lt3A_143 = arith.cmpf olt, %get3A_139, %get3A_21 : vector<16xf32>
      %and3A_144 = arith.andi %gt3A_142, %lt3A_143 : vector<16xi1>
      %add3A_145 = arith.constant 64 : i32
      %add3A_146 = arith.addi %mul3A_57, %add3A_145 : i32
      %add3A_147 = vector.broadcast %add3A_146 : i32 to vector<16xi32>
      %add3A_148 = arith.addi %add3A_147, %iota3A : vector<16xi32>
      %select_n3A_149 = arith.select %and3A_144, %add3A_148, %add3A_5 : vector<16xi1>, vector<16xi32>
      %min3A_150 = arith.minsi %min3A_130, %select_n3A_149 : vector<16xi32>
      %max3A_151 = arith.maxsi %min3A_130, %select_n3A_149 : vector<16xi32>
      %min3A_152 = arith.minsi %min3A_132, %max3A_151 : vector<16xi32>
      %max3A_153 = arith.maxsi %min3A_132, %max3A_151 : vector<16xi32>
      %min3A_154 = arith.minsi %min3A_134, %max3A_153 : vector<16xi32>
      %add3A_155 = arith.constant 80 : i32
      %add3A_156 = arith.addi %mul3A_57, %add3A_155 : i32
      %get3A_157 = arith.index_cast %add3A_156 : i32 to index
      %get3A_158 = tpu.vector_load %arg6[%get3A_157] {strides = array<i32>} : memref<256xf32, #tpu.memory_space<vmem>>, vector<16xf32>,
      %get3A_159 = vector.shape_cast %get3A_158 : vector<16xf32> to vector<16xf32>
      %gt3A_160 = arith.constant 0.000000e+00 : f32
      %gt3A_161 = vector.broadcast %gt3A_160 : f32 to vector<16xf32>
      %gt3A_162 = arith.cmpf ogt, %get3A_159, %gt3A_161 : vector<16xf32>
      %lt3A_163 = arith.cmpf olt, %get3A_159, %get3A_21 : vector<16xf32>
      %and3A_164 = arith.andi %gt3A_162, %lt3A_163 : vector<16xi1>
      %add3A_165 = arith.constant 80 : i32
      %add3A_166 = arith.addi %mul3A_57, %add3A_165 : i32
      %add3A_167 = vector.broadcast %add3A_166 : i32 to vector<16xi32>
      %add3A_168 = arith.addi %add3A_167, %iota3A : vector<16xi32>
      %select_n3A_169 = arith.select %and3A_164, %add3A_168, %add3A_5 : vector<16xi1>, vector<16xi32>
      %min3A_170 = arith.minsi %min3A_150, %select_n3A_169 : vector<16xi32>
      %max3A_171 = arith.maxsi %min3A_150, %select_n3A_169 : vector<16xi32>
      %min3A_172 = arith.minsi %min3A_152, %max3A_171 : vector<16xi32>
      %max3A_173 = arith.maxsi %min3A_152, %max3A_171 : vector<16xi32>
      %min3A_174 = arith.minsi %min3A_154, %max3A_173 : vector<16xi32>
      %add3A_175 = arith.constant 96 : i32
      %add3A_176 = arith.addi %mul3A_57, %add3A_175 : i32
      %get3A_177 = arith.index_cast %add3A_176 : i32 to index
      %get3A_178 = tpu.vector_load %arg6[%get3A_177] {strides = array<i32>} : memref<256xf32, #tpu.memory_space<vmem>>, vector<16xf32>,
      %get3A_179 = vector.shape_cast %get3A_178 : vector<16xf32> to vector<16xf32>
      %gt3A_180 = arith.constant 0.000000e+00 : f32
      %gt3A_181 = vector.broadcast %gt3A_180 : f32 to vector<16xf32>
      %gt3A_182 = arith.cmpf ogt, %get3A_179, %gt3A_181 : vector<16xf32>
      %lt3A_183 = arith.cmpf olt, %get3A_179, %get3A_21 : vector<16xf32>
      %and3A_184 = arith.andi %gt3A_182, %lt3A_183 : vector<16xi1>
      %add3A_185 = arith.constant 96 : i32
      %add3A_186 = arith.addi %mul3A_57, %add3A_185 : i32
      %add3A_187 = vector.broadcast %add3A_186 : i32 to vector<16xi32>
      %add3A_188 = arith.addi %add3A_187, %iota3A : vector<16xi32>
      %select_n3A_189 = arith.select %and3A_184, %add3A_188, %add3A_5 : vector<16xi1>, vector<16xi32>
      %min3A_190 = arith.minsi %min3A_170, %select_n3A_189 : vector<16xi32>
      %max3A_191 = arith.maxsi %min3A_170, %select_n3A_189 : vector<16xi32>
      %min3A_192 = arith.minsi %min3A_172, %max3A_191 : vector<16xi32>
      %max3A_193 = arith.maxsi %min3A_172, %max3A_191 : vector<16xi32>
      %min3A_194 = arith.minsi %min3A_174, %max3A_193 : vector<16xi32>
      %add3A_195 = arith.constant 112 : i32
      %add3A_196 = arith.addi %mul3A_57, %add3A_195 : i32
      %get3A_197 = arith.index_cast %add3A_196 : i32 to index
      %get3A_198 = tpu.vector_load %arg6[%get3A_197] {strides = array<i32>} : memref<256xf32, #tpu.memory_space<vmem>>, vector<16xf32>,
      %get3A_199 = vector.shape_cast %get3A_198 : vector<16xf32> to vector<16xf32>
      %gt3A_200 = arith.constant 0.000000e+00 : f32
      %gt3A_201 = vector.broadcast %gt3A_200 : f32 to vector<16xf32>
      %gt3A_202 = arith.cmpf ogt, %get3A_199, %gt3A_201 : vector<16xf32>
      %lt3A_203 = arith.cmpf olt, %get3A_199, %get3A_21 : vector<16xf32>
      %and3A_204 = arith.andi %gt3A_202, %lt3A_203 : vector<16xi1>
      %add3A_205 = arith.constant 112 : i32
      %add3A_206 = arith.addi %mul3A_57, %add3A_205 : i32
      %add3A_207 = vector.broadcast %add3A_206 : i32 to vector<16xi32>
      %add3A_208 = arith.addi %add3A_207, %iota3A : vector<16xi32>
      %select_n3A_209 = arith.select %and3A_204, %add3A_208, %add3A_5 : vector<16xi1>, vector<16xi32>
      %min3A_210 = arith.minsi %min3A_190, %select_n3A_209 : vector<16xi32>
      %max3A_211 = arith.maxsi %min3A_190, %select_n3A_209 : vector<16xi32>
      %min3A_212 = arith.minsi %min3A_192, %max3A_211 : vector<16xi32>
      %max3A_213 = arith.maxsi %min3A_192, %max3A_211 : vector<16xi32>
      %min3A_214 = arith.minsi %min3A_194, %max3A_213 : vector<16xi32>
      %add3A_215 = arith.constant 128 : i32
      %add3A_216 = arith.addi %mul3A_57, %add3A_215 : i32
      %get3A_217 = arith.index_cast %add3A_216 : i32 to index
      %get3A_218 = tpu.vector_load %arg6[%get3A_217] {strides = array<i32>} : memref<256xf32, #tpu.memory_space<vmem>>, vector<16xf32>,
      %get3A_219 = vector.shape_cast %get3A_218 : vector<16xf32> to vector<16xf32>
      %gt3A_220 = arith.constant 0.000000e+00 : f32
      %gt3A_221 = vector.broadcast %gt3A_220 : f32 to vector<16xf32>
      %gt3A_222 = arith.cmpf ogt, %get3A_219, %gt3A_221 : vector<16xf32>
      %lt3A_223 = arith.cmpf olt, %get3A_219, %get3A_21 : vector<16xf32>
      %and3A_224 = arith.andi %gt3A_222, %lt3A_223 : vector<16xi1>
      %add3A_225 = arith.constant 128 : i32
      %add3A_226 = arith.addi %mul3A_57, %add3A_225 : i32
      %add3A_227 = vector.broadcast %add3A_226 : i32 to vector<16xi32>
      %add3A_228 = arith.addi %add3A_227, %iota3A : vector<16xi32>
      %select_n3A_229 = arith.select %and3A_224, %add3A_228, %add3A_5 : vector<16xi1>, vector<16xi32>
      %min3A_230 = arith.minsi %min3A_210, %select_n3A_229 : vector<16xi32>
      %max3A_231 = arith.maxsi %min3A_210, %select_n3A_229 : vector<16xi32>
      %min3A_232 = arith.minsi %min3A_212, %max3A_231 : vector<16xi32>
      %max3A_233 = arith.maxsi %min3A_212, %max3A_231 : vector<16xi32>
      %min3A_234 = arith.minsi %min3A_214, %max3A_233 : vector<16xi32>
      %add3A_235 = arith.constant 144 : i32
      %add3A_236 = arith.addi %mul3A_57, %add3A_235 : i32
      %get3A_237 = arith.index_cast %add3A_236 : i32 to index
      %get3A_238 = tpu.vector_load %arg6[%get3A_237] {strides = array<i32>} : memref<256xf32, #tpu.memory_space<vmem>>, vector<16xf32>,
      %get3A_239 = vector.shape_cast %get3A_238 : vector<16xf32> to vector<16xf32>
      %gt3A_240 = arith.constant 0.000000e+00 : f32
      %gt3A_241 = vector.broadcast %gt3A_240 : f32 to vector<16xf32>
      %gt3A_242 = arith.cmpf ogt, %get3A_239, %gt3A_241 : vector<16xf32>
      %lt3A_243 = arith.cmpf olt, %get3A_239, %get3A_21 : vector<16xf32>
      %and3A_244 = arith.andi %gt3A_242, %lt3A_243 : vector<16xi1>
      %add3A_245 = arith.constant 144 : i32
      %add3A_246 = arith.addi %mul3A_57, %add3A_245 : i32
      %add3A_247 = vector.broadcast %add3A_246 : i32 to vector<16xi32>
      %add3A_248 = arith.addi %add3A_247, %iota3A : vector<16xi32>
      %select_n3A_249 = arith.select %and3A_244, %add3A_248, %add3A_5 : vector<16xi1>, vector<16xi32>
      %min3A_250 = arith.minsi %min3A_230, %select_n3A_249 : vector<16xi32>
      %max3A_251 = arith.maxsi %min3A_230, %select_n3A_249 : vector<16xi32>
      %min3A_252 = arith.minsi %min3A_232, %max3A_251 : vector<16xi32>
      %max3A_253 = arith.maxsi %min3A_232, %max3A_251 : vector<16xi32>
      %min3A_254 = arith.minsi %min3A_234, %max3A_253 : vector<16xi32>
      %add3A_255 = arith.constant 160 : i32
      %add3A_256 = arith.addi %mul3A_57, %add3A_255 : i32
      %get3A_257 = arith.index_cast %add3A_256 : i32 to index
      %get3A_258 = tpu.vector_load %arg6[%get3A_257] {strides = array<i32>} : memref<256xf32, #tpu.memory_space<vmem>>, vector<16xf32>,
      %get3A_259 = vector.shape_cast %get3A_258 : vector<16xf32> to vector<16xf32>
      %gt3A_260 = arith.constant 0.000000e+00 : f32
      %gt3A_261 = vector.broadcast %gt3A_260 : f32 to vector<16xf32>
      %gt3A_262 = arith.cmpf ogt, %get3A_259, %gt3A_261 : vector<16xf32>
      %lt3A_263 = arith.cmpf olt, %get3A_259, %get3A_21 : vector<16xf32>
      %and3A_264 = arith.andi %gt3A_262, %lt3A_263 : vector<16xi1>
      %add3A_265 = arith.constant 160 : i32
      %add3A_266 = arith.addi %mul3A_57, %add3A_265 : i32
      %add3A_267 = vector.broadcast %add3A_266 : i32 to vector<16xi32>
      %add3A_268 = arith.addi %add3A_267, %iota3A : vector<16xi32>
      %select_n3A_269 = arith.select %and3A_264, %add3A_268, %add3A_5 : vector<16xi1>, vector<16xi32>
      %min3A_270 = arith.minsi %min3A_250, %select_n3A_269 : vector<16xi32>
      %max3A_271 = arith.maxsi %min3A_250, %select_n3A_269 : vector<16xi32>
      %min3A_272 = arith.minsi %min3A_252, %max3A_271 : vector<16xi32>
      %max3A_273 = arith.maxsi %min3A_252, %max3A_271 : vector<16xi32>
      %min3A_274 = arith.minsi %min3A_254, %max3A_273 : vector<16xi32>
      %add3A_275 = arith.constant 176 : i32
      %add3A_276 = arith.addi %mul3A_57, %add3A_275 : i32
      %get3A_277 = arith.index_cast %add3A_276 : i32 to index
      %get3A_278 = tpu.vector_load %arg6[%get3A_277] {strides = array<i32>} : memref<256xf32, #tpu.memory_space<vmem>>, vector<16xf32>,
      %get3A_279 = vector.shape_cast %get3A_278 : vector<16xf32> to vector<16xf32>
      %gt3A_280 = arith.constant 0.000000e+00 : f32
      %gt3A_281 = vector.broadcast %gt3A_280 : f32 to vector<16xf32>
      %gt3A_282 = arith.cmpf ogt, %get3A_279, %gt3A_281 : vector<16xf32>
      %lt3A_283 = arith.cmpf olt, %get3A_279, %get3A_21 : vector<16xf32>
      %and3A_284 = arith.andi %gt3A_282, %lt3A_283 : vector<16xi1>
      %add3A_285 = arith.constant 176 : i32
      %add3A_286 = arith.addi %mul3A_57, %add3A_285 : i32
      %add3A_287 = vector.broadcast %add3A_286 : i32 to vector<16xi32>
      %add3A_288 = arith.addi %add3A_287, %iota3A : vector<16xi32>
      %select_n3A_289 = arith.select %and3A_284, %add3A_288, %add3A_5 : vector<16xi1>, vector<16xi32>
      %min3A_290 = arith.minsi %min3A_270, %select_n3A_289 : vector<16xi32>
      %max3A_291 = arith.maxsi %min3A_270, %select_n3A_289 : vector<16xi32>
      %min3A_292 = arith.minsi %min3A_272, %max3A_291 : vector<16xi32>
      %max3A_293 = arith.maxsi %min3A_272, %max3A_291 : vector<16xi32>
      %min3A_294 = arith.minsi %min3A_274, %max3A_293 : vector<16xi32>
      %add3A_295 = arith.constant 192 : i32
      %add3A_296 = arith.addi %mul3A_57, %add3A_295 : i32
      %get3A_297 = arith.index_cast %add3A_296 : i32 to index
      %get3A_298 = tpu.vector_load %arg6[%get3A_297] {strides = array<i32>} : memref<256xf32, #tpu.memory_space<vmem>>, vector<16xf32>,
      %get3A_299 = vector.shape_cast %get3A_298 : vector<16xf32> to vector<16xf32>
      %gt3A_300 = arith.constant 0.000000e+00 : f32
      %gt3A_301 = vector.broadcast %gt3A_300 : f32 to vector<16xf32>
      %gt3A_302 = arith.cmpf ogt, %get3A_299, %gt3A_301 : vector<16xf32>
      %lt3A_303 = arith.cmpf olt, %get3A_299, %get3A_21 : vector<16xf32>
      %and3A_304 = arith.andi %gt3A_302, %lt3A_303 : vector<16xi1>
      %add3A_305 = arith.constant 192 : i32
      %add3A_306 = arith.addi %mul3A_57, %add3A_305 : i32
      %add3A_307 = vector.broadcast %add3A_306 : i32 to vector<16xi32>
      %add3A_308 = arith.addi %add3A_307, %iota3A : vector<16xi32>
      %select_n3A_309 = arith.select %and3A_304, %add3A_308, %add3A_5 : vector<16xi1>, vector<16xi32>
      %min3A_310 = arith.minsi %min3A_290, %select_n3A_309 : vector<16xi32>
      %max3A_311 = arith.maxsi %min3A_290, %select_n3A_309 : vector<16xi32>
      %min3A_312 = arith.minsi %min3A_292, %max3A_311 : vector<16xi32>
      %max3A_313 = arith.maxsi %min3A_292, %max3A_311 : vector<16xi32>
      %min3A_314 = arith.minsi %min3A_294, %max3A_313 : vector<16xi32>
      %add3A_315 = arith.constant 208 : i32
      %add3A_316 = arith.addi %mul3A_57, %add3A_315 : i32
      %get3A_317 = arith.index_cast %add3A_316 : i32 to index
      %get3A_318 = tpu.vector_load %arg6[%get3A_317] {strides = array<i32>} : memref<256xf32, #tpu.memory_space<vmem>>, vector<16xf32>,
      %get3A_319 = vector.shape_cast %get3A_318 : vector<16xf32> to vector<16xf32>
      %gt3A_320 = arith.constant 0.000000e+00 : f32
      %gt3A_321 = vector.broadcast %gt3A_320 : f32 to vector<16xf32>
      %gt3A_322 = arith.cmpf ogt, %get3A_319, %gt3A_321 : vector<16xf32>
      %lt3A_323 = arith.cmpf olt, %get3A_319, %get3A_21 : vector<16xf32>
      %and3A_324 = arith.andi %gt3A_322, %lt3A_323 : vector<16xi1>
      %add3A_325 = arith.constant 208 : i32
      %add3A_326 = arith.addi %mul3A_57, %add3A_325 : i32
      %add3A_327 = vector.broadcast %add3A_326 : i32 to vector<16xi32>
      %add3A_328 = arith.addi %add3A_327, %iota3A : vector<16xi32>
      %select_n3A_329 = arith.select %and3A_324, %add3A_328, %add3A_5 : vector<16xi1>, vector<16xi32>
      %min3A_330 = arith.minsi %min3A_310, %select_n3A_329 : vector<16xi32>
      %max3A_331 = arith.maxsi %min3A_310, %select_n3A_329 : vector<16xi32>
      %min3A_332 = arith.minsi %min3A_312, %max3A_331 : vector<16xi32>
      %max3A_333 = arith.maxsi %min3A_312, %max3A_331 : vector<16xi32>
      %min3A_334 = arith.minsi %min3A_314, %max3A_333 : vector<16xi32>
      %add3A_335 = arith.constant 224 : i32
      %add3A_336 = arith.addi %mul3A_57, %add3A_335 : i32
      %get3A_337 = arith.index_cast %add3A_336 : i32 to index
      %get3A_338 = tpu.vector_load %arg6[%get3A_337] {strides = array<i32>} : memref<256xf32, #tpu.memory_space<vmem>>, vector<16xf32>,
      %get3A_339 = vector.shape_cast %get3A_338 : vector<16xf32> to vector<16xf32>
      %gt3A_340 = arith.constant 0.000000e+00 : f32
      %gt3A_341 = vector.broadcast %gt3A_340 : f32 to vector<16xf32>
      %gt3A_342 = arith.cmpf ogt, %get3A_339, %gt3A_341 : vector<16xf32>
      %lt3A_343 = arith.cmpf olt, %get3A_339, %get3A_21 : vector<16xf32>
      %and3A_344 = arith.andi %gt3A_342, %lt3A_343 : vector<16xi1>
      %add3A_345 = arith.constant 224 : i32
      %add3A_346 = arith.addi %mul3A_57, %add3A_345 : i32
      %add3A_347 = vector.broadcast %add3A_346 : i32 to vector<16xi32>
      %add3A_348 = arith.addi %add3A_347, %iota3A : vector<16xi32>
      %select_n3A_349 = arith.select %and3A_344, %add3A_348, %add3A_5 : vector<16xi1>, vector<16xi32>
      %min3A_350 = arith.minsi %min3A_330, %select_n3A_349 : vector<16xi32>
      %max3A_351 = arith.maxsi %min3A_330, %select_n3A_349 : vector<16xi32>
      %min3A_352 = arith.minsi %min3A_332, %max3A_351 : vector<16xi32>
      %max3A_353 = arith.maxsi %min3A_332, %max3A_351 : vector<16xi32>
      %min3A_354 = arith.minsi %min3A_334, %max3A_353 : vector<16xi32>
      %add3A_355 = arith.constant 240 : i32
      %add3A_356 = arith.addi %mul3A_57, %add3A_355 : i32
      %get3A_357 = arith.index_cast %add3A_356 : i32 to index
      %get3A_358 = tpu.vector_load %arg6[%get3A_357] {strides = array<i32>} : memref<256xf32, #tpu.memory_space<vmem>>, vector<16xf32>,
      %get3A_359 = vector.shape_cast %get3A_358 : vector<16xf32> to vector<16xf32>
      %gt3A_360 = arith.constant 0.000000e+00 : f32
      %gt3A_361 = vector.broadcast %gt3A_360 : f32 to vector<16xf32>
      %gt3A_362 = arith.cmpf ogt, %get3A_359, %gt3A_361 : vector<16xf32>
      %lt3A_363 = arith.cmpf olt, %get3A_359, %get3A_21 : vector<16xf32>
      %and3A_364 = arith.andi %gt3A_362, %lt3A_363 : vector<16xi1>
      %add3A_365 = arith.constant 240 : i32
      %add3A_366 = arith.addi %mul3A_57, %add3A_365 : i32
      %add3A_367 = vector.broadcast %add3A_366 : i32 to vector<16xi32>
      %add3A_368 = arith.addi %add3A_367, %iota3A : vector<16xi32>
      %select_n3A_369 = arith.select %and3A_364, %add3A_368, %add3A_5 : vector<16xi1>, vector<16xi32>
      %min3A_370 = arith.minsi %min3A_350, %select_n3A_369 : vector<16xi32>
      %max3A_371 = arith.maxsi %min3A_350, %select_n3A_369 : vector<16xi32>
      %min3A_372 = arith.minsi %min3A_352, %max3A_371 : vector<16xi32>
      %max3A_373 = arith.maxsi %min3A_352, %max3A_371 : vector<16xi32>
      %min3A_374 = arith.minsi %min3A_354, %max3A_373 : vector<16xi32>
      %scan3A_375 = arith.constant 1 : i32
      %swap3A_376 = arith.constant 0 : index
      %swap3A_377 = tpu.vector_load %arg11[%swap3A_376] {strides = array<i32>} : memref<32xi32, #tpu.memory_space<vmem>>, vector<16xi32>,
      %swap3A_378 = vector.shape_cast %swap3A_377 : vector<16xi32> to vector<16xi32>
      %swap3A_379 = vector.shape_cast %min3A_370 : vector<16xi32> to vector<16xi32>
      tpu.vector_store %arg11[%swap3A_376], %swap3A_379 {strides = array<i32>} : memref<32xi32, #tpu.memory_space<vmem>>, vector<16xi32>,
      %get3A_380 = arith.constant 8 : index
      %get3A_381 = tpu.vector_load %arg11[%get3A_380] {strides = array<i32>} : memref<32xi32, #tpu.memory_space<vmem>>, vector<16xi32>,
      %get3A_382 = vector.shape_cast %get3A_381 : vector<16xi32> to vector<16xi32>
      %min3A_383 = arith.minsi %min3A_370, %get3A_382 : vector<16xi32>
      %swap3A_384 = arith.constant 0 : index
      %swap3A_385 = tpu.vector_load %arg11[%swap3A_384] {strides = array<i32>} : memref<32xi32, #tpu.memory_space<vmem>>, vector<16xi32>,
      %swap3A_386 = vector.shape_cast %swap3A_385 : vector<16xi32> to vector<16xi32>
      %swap3A_387 = vector.shape_cast %min3A_383 : vector<16xi32> to vector<16xi32>
      tpu.vector_store %arg11[%swap3A_384], %swap3A_387 {strides = array<i32>} : memref<32xi32, #tpu.memory_space<vmem>>, vector<16xi32>,
      %get3A_388 = arith.constant 4 : index
      %get3A_389 = tpu.vector_load %arg11[%get3A_388] {strides = array<i32>} : memref<32xi32, #tpu.memory_space<vmem>>, vector<16xi32>,
      %get3A_390 = vector.shape_cast %get3A_389 : vector<16xi32> to vector<16xi32>
      %min3A_391 = arith.minsi %min3A_383, %get3A_390 : vector<16xi32>
      %swap3A_392 = arith.constant 0 : index
      %swap3A_393 = tpu.vector_load %arg11[%swap3A_392] {strides = array<i32>} : memref<32xi32, #tpu.memory_space<vmem>>, vector<16xi32>,
      %swap3A_394 = vector.shape_cast %swap3A_393 : vector<16xi32> to vector<16xi32>
      %swap3A_395 = vector.shape_cast %min3A_391 : vector<16xi32> to vector<16xi32>
      tpu.vector_store %arg11[%swap3A_392], %swap3A_395 {strides = array<i32>} : memref<32xi32, #tpu.memory_space<vmem>>, vector<16xi32>,
      %get3A_396 = arith.constant 2 : index
      %get3A_397 = tpu.vector_load %arg11[%get3A_396] {strides = array<i32>} : memref<32xi32, #tpu.memory_space<vmem>>, vector<16xi32>,
      %get3A_398 = vector.shape_cast %get3A_397 : vector<16xi32> to vector<16xi32>
      %min3A_399 = arith.minsi %min3A_391, %get3A_398 : vector<16xi32>
      %swap3A_400 = arith.constant 0 : index
      %swap3A_401 = tpu.vector_load %arg11[%swap3A_400] {strides = array<i32>} : memref<32xi32, #tpu.memory_space<vmem>>, vector<16xi32>,
      %swap3A_402 = vector.shape_cast %swap3A_401 : vector<16xi32> to vector<16xi32>
      %swap3A_403 = vector.shape_cast %min3A_399 : vector<16xi32> to vector<16xi32>
      tpu.vector_store %arg11[%swap3A_400], %swap3A_403 {strides = array<i32>} : memref<32xi32, #tpu.memory_space<vmem>>, vector<16xi32>,
      %get3A_404 = arith.constant 1 : index
      %get3A_405 = tpu.vector_load %arg11[%get3A_404] {strides = array<i32>} : memref<32xi32, #tpu.memory_space<vmem>>, vector<16xi32>,
      %get3A_406 = vector.shape_cast %get3A_405 : vector<16xi32> to vector<16xi32>
      %min3A_407 = arith.minsi %min3A_399, %get3A_406 : vector<16xi32>
      %slice3A = vector.extract_strided_slice %min3A_407 {offsets = [0], sizes = [1], strides = [1]} : vector<16xi32> to vector<1xi32>
      %squeeze3A = vector.extract %slice3A[0] : i32 from vector<1xi32>
      %gt3A_408 = vector.broadcast %squeeze3A : i32 to vector<16xi32>
      %gt3A_409 = arith.cmpi sgt, %min3A_370, %gt3A_408 : vector<16xi32>
      %select_n3A_410 = arith.select %gt3A_409, %min3A_370, %add3A_5 : vector<16xi1>, vector<16xi32>
      %min3A_411 = arith.minsi %select_n3A_410, %min3A_372 : vector<16xi32>
      %swap3A_412 = arith.constant 0 : index
      %swap3A_413 = tpu.vector_load %arg11[%swap3A_412] {strides = array<i32>} : memref<32xi32, #tpu.memory_space<vmem>>, vector<16xi32>,
      %swap3A_414 = vector.shape_cast %swap3A_413 : vector<16xi32> to vector<16xi32>
      %swap3A_415 = vector.shape_cast %min3A_411 : vector<16xi32> to vector<16xi32>
      tpu.vector_store %arg11[%swap3A_412], %swap3A_415 {strides = array<i32>} : memref<32xi32, #tpu.memory_space<vmem>>, vector<16xi32>,
      %get3A_416 = arith.constant 8 : index
      %get3A_417 = tpu.vector_load %arg11[%get3A_416] {strides = array<i32>} : memref<32xi32, #tpu.memory_space<vmem>>, vector<16xi32>,
      %get3A_418 = vector.shape_cast %get3A_417 : vector<16xi32> to vector<16xi32>
      %min3A_419 = arith.minsi %min3A_411, %get3A_418 : vector<16xi32>
      %swap3A_420 = arith.constant 0 : index
      %swap3A_421 = tpu.vector_load %arg11[%swap3A_420] {strides = array<i32>} : memref<32xi32, #tpu.memory_space<vmem>>, vector<16xi32>,
      %swap3A_422 = vector.shape_cast %swap3A_421 : vector<16xi32> to vector<16xi32>
      %swap3A_423 = vector.shape_cast %min3A_419 : vector<16xi32> to vector<16xi32>
      tpu.vector_store %arg11[%swap3A_420], %swap3A_423 {strides = array<i32>} : memref<32xi32, #tpu.memory_space<vmem>>, vector<16xi32>,
      %get3A_424 = arith.constant 4 : index
      %get3A_425 = tpu.vector_load %arg11[%get3A_424] {strides = array<i32>} : memref<32xi32, #tpu.memory_space<vmem>>, vector<16xi32>,
      %get3A_426 = vector.shape_cast %get3A_425 : vector<16xi32> to vector<16xi32>
      %min3A_427 = arith.minsi %min3A_419, %get3A_426 : vector<16xi32>
      %swap3A_428 = arith.constant 0 : index
      %swap3A_429 = tpu.vector_load %arg11[%swap3A_428] {strides = array<i32>} : memref<32xi32, #tpu.memory_space<vmem>>, vector<16xi32>,
      %swap3A_430 = vector.shape_cast %swap3A_429 : vector<16xi32> to vector<16xi32>
      %swap3A_431 = vector.shape_cast %min3A_427 : vector<16xi32> to vector<16xi32>
      tpu.vector_store %arg11[%swap3A_428], %swap3A_431 {strides = array<i32>} : memref<32xi32, #tpu.memory_space<vmem>>, vector<16xi32>,
      %get3A_432 = arith.constant 2 : index
      %get3A_433 = tpu.vector_load %arg11[%get3A_432] {strides = array<i32>} : memref<32xi32, #tpu.memory_space<vmem>>, vector<16xi32>,
      %get3A_434 = vector.shape_cast %get3A_433 : vector<16xi32> to vector<16xi32>
      %min3A_435 = arith.minsi %min3A_427, %get3A_434 : vector<16xi32>
      %swap3A_436 = arith.constant 0 : index
      %swap3A_437 = tpu.vector_load %arg11[%swap3A_436] {strides = array<i32>} : memref<32xi32, #tpu.memory_space<vmem>>, vector<16xi32>,
      %swap3A_438 = vector.shape_cast %swap3A_437 : vector<16xi32> to vector<16xi32>
      %swap3A_439 = vector.shape_cast %min3A_435 : vector<16xi32> to vector<16xi32>
      tpu.vector_store %arg11[%swap3A_436], %swap3A_439 {strides = array<i32>} : memref<32xi32, #tpu.memory_space<vmem>>, vector<16xi32>,
      %get3A_440 = arith.constant 1 : index
      %get3A_441 = tpu.vector_load %arg11[%get3A_440] {strides = array<i32>} : memref<32xi32, #tpu.memory_space<vmem>>, vector<16xi32>,
      %get3A_442 = vector.shape_cast %get3A_441 : vector<16xi32> to vector<16xi32>
      %min3A_443 = arith.minsi %min3A_435, %get3A_442 : vector<16xi32>
      %slice3A_444 = vector.extract_strided_slice %min3A_443 {offsets = [0], sizes = [1], strides = [1]} : vector<16xi32> to vector<1xi32>
      %squeeze3A_445 = vector.extract %slice3A_444[0] : i32 from vector<1xi32>
      %gt3A_446 = vector.broadcast %squeeze3A_445 : i32 to vector<16xi32>
      %gt3A_447 = arith.cmpi sgt, %min3A_370, %gt3A_446 : vector<16xi32>
      %select_n3A_448 = arith.select %gt3A_447, %min3A_370, %add3A_5 : vector<16xi1>, vector<16xi32>
      %gt3A_449 = vector.broadcast %squeeze3A_445 : i32 to vector<16xi32>
      %gt3A_450 = arith.cmpi sgt, %min3A_372, %gt3A_449 : vector<16xi32>
      %select_n3A_451 = arith.select %gt3A_450, %min3A_372, %add3A_5 : vector<16xi1>, vector<16xi32>
      %min3A_452 = arith.minsi %select_n3A_448, %select_n3A_451 : vector<16xi32>
      %min3A_453 = arith.minsi %min3A_452, %min3A_374 : vector<16xi32>
      %swap3A_454 = arith.constant 0 : index
      %swap3A_455 = tpu.vector_load %arg11[%swap3A_454] {strides = array<i32>} : memref<32xi32, #tpu.memory_space<vmem>>, vector<16xi32>,
      %swap3A_456 = vector.shape_cast %swap3A_455 : vector<16xi32> to vector<16xi32>
      %swap3A_457 = vector.shape_cast %min3A_453 : vector<16xi32> to vector<16xi32>
      tpu.vector_store %arg11[%swap3A_454], %swap3A_457 {strides = array<i32>} : memref<32xi32, #tpu.memory_space<vmem>>, vector<16xi32>,
      %get3A_458 = arith.constant 8 : index
      %get3A_459 = tpu.vector_load %arg11[%get3A_458] {strides = array<i32>} : memref<32xi32, #tpu.memory_space<vmem>>, vector<16xi32>,
      %get3A_460 = vector.shape_cast %get3A_459 : vector<16xi32> to vector<16xi32>
      %min3A_461 = arith.minsi %min3A_453, %get3A_460 : vector<16xi32>
      %swap3A_462 = arith.constant 0 : index
      %swap3A_463 = tpu.vector_load %arg11[%swap3A_462] {strides = array<i32>} : memref<32xi32, #tpu.memory_space<vmem>>, vector<16xi32>,
      %swap3A_464 = vector.shape_cast %swap3A_463 : vector<16xi32> to vector<16xi32>
      %swap3A_465 = vector.shape_cast %min3A_461 : vector<16xi32> to vector<16xi32>
      tpu.vector_store %arg11[%swap3A_462], %swap3A_465 {strides = array<i32>} : memref<32xi32, #tpu.memory_space<vmem>>, vector<16xi32>,
      %get3A_466 = arith.constant 4 : index
      %get3A_467 = tpu.vector_load %arg11[%get3A_466] {strides = array<i32>} : memref<32xi32, #tpu.memory_space<vmem>>, vector<16xi32>,
      %get3A_468 = vector.shape_cast %get3A_467 : vector<16xi32> to vector<16xi32>
      %min3A_469 = arith.minsi %min3A_461, %get3A_468 : vector<16xi32>
      %swap3A_470 = arith.constant 0 : index
      %swap3A_471 = tpu.vector_load %arg11[%swap3A_470] {strides = array<i32>} : memref<32xi32, #tpu.memory_space<vmem>>, vector<16xi32>,
      %swap3A_472 = vector.shape_cast %swap3A_471 : vector<16xi32> to vector<16xi32>
      %swap3A_473 = vector.shape_cast %min3A_469 : vector<16xi32> to vector<16xi32>
      tpu.vector_store %arg11[%swap3A_470], %swap3A_473 {strides = array<i32>} : memref<32xi32, #tpu.memory_space<vmem>>, vector<16xi32>,
      %get3A_474 = arith.constant 2 : index
      %get3A_475 = tpu.vector_load %arg11[%get3A_474] {strides = array<i32>} : memref<32xi32, #tpu.memory_space<vmem>>, vector<16xi32>,
      %get3A_476 = vector.shape_cast %get3A_475 : vector<16xi32> to vector<16xi32>
      %min3A_477 = arith.minsi %min3A_469, %get3A_476 : vector<16xi32>
      %swap3A_478 = arith.constant 0 : index
      %swap3A_479 = tpu.vector_load %arg11[%swap3A_478] {strides = array<i32>} : memref<32xi32, #tpu.memory_space<vmem>>, vector<16xi32>,
      %swap3A_480 = vector.shape_cast %swap3A_479 : vector<16xi32> to vector<16xi32>
      %swap3A_481 = vector.shape_cast %min3A_477 : vector<16xi32> to vector<16xi32>
      tpu.vector_store %arg11[%swap3A_478], %swap3A_481 {strides = array<i32>} : memref<32xi32, #tpu.memory_space<vmem>>, vector<16xi32>,
      %get3A_482 = arith.constant 1 : index
      %get3A_483 = tpu.vector_load %arg11[%get3A_482] {strides = array<i32>} : memref<32xi32, #tpu.memory_space<vmem>>, vector<16xi32>,
      %get3A_484 = vector.shape_cast %get3A_483 : vector<16xi32> to vector<16xi32>
      %min3A_485 = arith.minsi %min3A_477, %get3A_484 : vector<16xi32>
      %slice3A_486 = vector.extract_strided_slice %min3A_485 {offsets = [0], sizes = [1], strides = [1]} : vector<16xi32> to vector<1xi32>
      %squeeze3A_487 = vector.extract %slice3A_486[0] : i32 from vector<1xi32>
      %get3A_488 = arith.constant 0 : i32
      %get3A_489 = arith.index_cast %get3A_488 : i32 to index
      %get3A_490 = memref.load %arg13[%get3A_489] : memref<8xi32, #tpu.memory_space<smem>>
      %eq3A_491 = arith.constant 0 : i32
      %eq3A_492 = arith.cmpi eq, %get3A_490, %eq3A_491 : i32
      %eq3A_493 = arith.constant 1 : i32
      %eq3A_494 = arith.cmpi eq, %get3A_490, %eq3A_493 : i32
      %get3A_495 = arith.constant 1 : i32
      %get3A_496 = arith.index_cast %get3A_495 : i32 to index
      %get3A_497 = memref.load %arg13[%get3A_496] : memref<8xi32, #tpu.memory_space<smem>>
      %eq3A_498 = arith.constant 2 : i32
      %eq3A_499 = arith.cmpi eq, %get3A_490, %eq3A_498 : i32
      %get3A_500 = arith.constant 2 : i32
      %get3A_501 = arith.index_cast %get3A_500 : i32 to index
      %get3A_502 = memref.load %arg13[%get3A_501] : memref<8xi32, #tpu.memory_space<smem>>
      %get3A_503 = arith.constant 3 : i32
      %get3A_504 = arith.index_cast %get3A_503 : i32 to index
      %get3A_505 = memref.load %arg13[%get3A_504] : memref<8xi32, #tpu.memory_space<smem>>
      %select_n3A_506 = arith.select %eq3A_499, %get3A_502, %get3A_505 : i32
      %select_n3A_507 = arith.select %eq3A_494, %get3A_497, %select_n3A_506 : i32
      %jit3A_508 = arith.constant -1 : i32
      %select_n3A_509 = arith.select %eq3A_492, %jit3A_508, %select_n3A_507 : i32
      %lt3A_510 = arith.constant 1073741824 : i32
      %lt3A_511 = arith.cmpi slt, %squeeze3A, %lt3A_510 : i32
      %gt3A_512 = arith.cmpi sgt, %squeeze3A, %select_n3A_509 : i32
      %and3A_513 = arith.andi %lt3A_511, %gt3A_512 : i1
      %eq3A_514 = arith.constant 0 : i32
      %eq3A_515 = arith.cmpi eq, %get3A_490, %eq3A_514 : i32
      %and3A_516 = arith.andi %and3A_513, %eq3A_515 : i1
      %get3A_517 = arith.constant 1 : i32
      %get3A_518 = arith.index_cast %get3A_517 : i32 to index
      %get3A_519 = memref.load %arg13[%get3A_518] : memref<8xi32, #tpu.memory_space<smem>>
      %select_n3A_520 = arith.select %and3A_516, %squeeze3A, %get3A_519 : i32
      %swap3A_521 = arith.constant 1 : i32
      %swap3A_522 = arith.index_cast %swap3A_521 : i32 to index
      %swap3A_523 = memref.load %arg13[%swap3A_522] : memref<8xi32, #tpu.memory_space<smem>>
      memref.store %select_n3A_520, %arg13[%swap3A_522] : memref<8xi32, #tpu.memory_space<smem>>
      %eq3A_524 = arith.constant 1 : i32
      %eq3A_525 = arith.cmpi eq, %get3A_490, %eq3A_524 : i32
      %and3A_526 = arith.andi %and3A_513, %eq3A_525 : i1
      %get3A_527 = arith.constant 2 : i32
      %get3A_528 = arith.index_cast %get3A_527 : i32 to index
      %get3A_529 = memref.load %arg13[%get3A_528] : memref<8xi32, #tpu.memory_space<smem>>
      %select_n3A_530 = arith.select %and3A_526, %squeeze3A, %get3A_529 : i32
      %swap3A_531 = arith.constant 2 : i32
      %swap3A_532 = arith.index_cast %swap3A_531 : i32 to index
      %swap3A_533 = memref.load %arg13[%swap3A_532] : memref<8xi32, #tpu.memory_space<smem>>
      memref.store %select_n3A_530, %arg13[%swap3A_532] : memref<8xi32, #tpu.memory_space<smem>>
      %eq3A_534 = arith.constant 2 : i32
      %eq3A_535 = arith.cmpi eq, %get3A_490, %eq3A_534 : i32
      %and3A_536 = arith.andi %and3A_513, %eq3A_535 : i1
      %get3A_537 = arith.constant 3 : i32
      %get3A_538 = arith.index_cast %get3A_537 : i32 to index
      %get3A_539 = memref.load %arg13[%get3A_538] : memref<8xi32, #tpu.memory_space<smem>>
      %select_n3A_540 = arith.select %and3A_536, %squeeze3A, %get3A_539 : i32
      %swap3A_541 = arith.constant 3 : i32
      %swap3A_542 = arith.index_cast %swap3A_541 : i32 to index
      %swap3A_543 = memref.load %arg13[%swap3A_542] : memref<8xi32, #tpu.memory_space<smem>>
      memref.store %select_n3A_540, %arg13[%swap3A_542] : memref<8xi32, #tpu.memory_space<smem>>
      %lt3A_544 = arith.constant 3 : i32
      %lt3A_545 = arith.cmpi slt, %get3A_490, %lt3A_544 : i32
      %and3A_546 = arith.andi %and3A_513, %lt3A_545 : i1
      %convert_element_type3A_547 = arith.extui %and3A_546 : i1 to i32
      %add3A_548 = arith.addi %get3A_490, %convert_element_type3A_547 : i32
      %select_n3A_549 = arith.select %and3A_546, %squeeze3A, %select_n3A_509 : i32
      %lt3A_550 = arith.constant 1073741824 : i32
      %lt3A_551 = arith.cmpi slt, %squeeze3A_445, %lt3A_550 : i32
      %gt3A_552 = arith.cmpi sgt, %squeeze3A_445, %select_n3A_549 : i32
      %and3A_553 = arith.andi %lt3A_551, %gt3A_552 : i1
      %eq3A_554 = arith.constant 0 : i32
      %eq3A_555 = arith.cmpi eq, %add3A_548, %eq3A_554 : i32
      %and3A_556 = arith.andi %and3A_553, %eq3A_555 : i1
      %get3A_557 = arith.constant 1 : i32
      %get3A_558 = arith.index_cast %get3A_557 : i32 to index
      %get3A_559 = memref.load %arg13[%get3A_558] : memref<8xi32, #tpu.memory_space<smem>>
      %select_n3A_560 = arith.select %and3A_556, %squeeze3A_445, %get3A_559 : i32
      %swap3A_561 = arith.constant 1 : i32
      %swap3A_562 = arith.index_cast %swap3A_561 : i32 to index
      %swap3A_563 = memref.load %arg13[%swap3A_562] : memref<8xi32, #tpu.memory_space<smem>>
      memref.store %select_n3A_560, %arg13[%swap3A_562] : memref<8xi32, #tpu.memory_space<smem>>
      %eq3A_564 = arith.constant 1 : i32
      %eq3A_565 = arith.cmpi eq, %add3A_548, %eq3A_564 : i32
      %and3A_566 = arith.andi %and3A_553, %eq3A_565 : i1
      %get3A_567 = arith.constant 2 : i32
      %get3A_568 = arith.index_cast %get3A_567 : i32 to index
      %get3A_569 = memref.load %arg13[%get3A_568] : memref<8xi32, #tpu.memory_space<smem>>
      %select_n3A_570 = arith.select %and3A_566, %squeeze3A_445, %get3A_569 : i32
      %swap3A_571 = arith.constant 2 : i32
      %swap3A_572 = arith.index_cast %swap3A_571 : i32 to index
      %swap3A_573 = memref.load %arg13[%swap3A_572] : memref<8xi32, #tpu.memory_space<smem>>
      memref.store %select_n3A_570, %arg13[%swap3A_572] : memref<8xi32, #tpu.memory_space<smem>>
      %eq3A_574 = arith.constant 2 : i32
      %eq3A_575 = arith.cmpi eq, %add3A_548, %eq3A_574 : i32
      %and3A_576 = arith.andi %and3A_553, %eq3A_575 : i1
      %get3A_577 = arith.constant 3 : i32
      %get3A_578 = arith.index_cast %get3A_577 : i32 to index
      %get3A_579 = memref.load %arg13[%get3A_578] : memref<8xi32, #tpu.memory_space<smem>>
      %select_n3A_580 = arith.select %and3A_576, %squeeze3A_445, %get3A_579 : i32
      %swap3A_581 = arith.constant 3 : i32
      %swap3A_582 = arith.index_cast %swap3A_581 : i32 to index
      %swap3A_583 = memref.load %arg13[%swap3A_582] : memref<8xi32, #tpu.memory_space<smem>>
      memref.store %select_n3A_580, %arg13[%swap3A_582] : memref<8xi32, #tpu.memory_space<smem>>
      %lt3A_584 = arith.constant 3 : i32
      %lt3A_585 = arith.cmpi slt, %add3A_548, %lt3A_584 : i32
      %and3A_586 = arith.andi %and3A_553, %lt3A_585 : i1
      %convert_element_type3A_587 = arith.extui %and3A_586 : i1 to i32
      %add3A_588 = arith.addi %add3A_548, %convert_element_type3A_587 : i32
      %select_n3A_589 = arith.select %and3A_586, %squeeze3A_445, %select_n3A_549 : i32
      %lt3A_590 = arith.constant 1073741824 : i32
      %lt3A_591 = arith.cmpi slt, %squeeze3A_487, %lt3A_590 : i32
      %gt3A_592 = arith.cmpi sgt, %squeeze3A_487, %select_n3A_589 : i32
      %and3A_593 = arith.andi %lt3A_591, %gt3A_592 : i1
      %eq3A_594 = arith.constant 0 : i32
      %eq3A_595 = arith.cmpi eq, %add3A_588, %eq3A_594 : i32
      %and3A_596 = arith.andi %and3A_593, %eq3A_595 : i1
      %get3A_597 = arith.constant 1 : i32
      %get3A_598 = arith.index_cast %get3A_597 : i32 to index
      %get3A_599 = memref.load %arg13[%get3A_598] : memref<8xi32, #tpu.memory_space<smem>>
      %select_n3A_600 = arith.select %and3A_596, %squeeze3A_487, %get3A_599 : i32
      %swap3A_601 = arith.constant 1 : i32
      %swap3A_602 = arith.index_cast %swap3A_601 : i32 to index
      %swap3A_603 = memref.load %arg13[%swap3A_602] : memref<8xi32, #tpu.memory_space<smem>>
      memref.store %select_n3A_600, %arg13[%swap3A_602] : memref<8xi32, #tpu.memory_space<smem>>
      %eq3A_604 = arith.constant 1 : i32
      %eq3A_605 = arith.cmpi eq, %add3A_588, %eq3A_604 : i32
      %and3A_606 = arith.andi %and3A_593, %eq3A_605 : i1
      %get3A_607 = arith.constant 2 : i32
      %get3A_608 = arith.index_cast %get3A_607 : i32 to index
      %get3A_609 = memref.load %arg13[%get3A_608] : memref<8xi32, #tpu.memory_space<smem>>
      %select_n3A_610 = arith.select %and3A_606, %squeeze3A_487, %get3A_609 : i32
      %swap3A_611 = arith.constant 2 : i32
      %swap3A_612 = arith.index_cast %swap3A_611 : i32 to index
      %swap3A_613 = memref.load %arg13[%swap3A_612] : memref<8xi32, #tpu.memory_space<smem>>
      memref.store %select_n3A_610, %arg13[%swap3A_612] : memref<8xi32, #tpu.memory_space<smem>>
      %eq3A_614 = arith.constant 2 : i32
      %eq3A_615 = arith.cmpi eq, %add3A_588, %eq3A_614 : i32
      %and3A_616 = arith.andi %and3A_593, %eq3A_615 : i1
      %get3A_617 = arith.constant 3 : i32
      %get3A_618 = arith.index_cast %get3A_617 : i32 to index
      %get3A_619 = memref.load %arg13[%get3A_618] : memref<8xi32, #tpu.memory_space<smem>>
      %select_n3A_620 = arith.select %and3A_616, %squeeze3A_487, %get3A_619 : i32
      %swap3A_621 = arith.constant 3 : i32
      %swap3A_622 = arith.index_cast %swap3A_621 : i32 to index
      %swap3A_623 = memref.load %arg13[%swap3A_622] : memref<8xi32, #tpu.memory_space<smem>>
      memref.store %select_n3A_620, %arg13[%swap3A_622] : memref<8xi32, #tpu.memory_space<smem>>
      %lt3A_624 = arith.constant 3 : i32
      %lt3A_625 = arith.cmpi slt, %add3A_588, %lt3A_624 : i32
      %and3A_626 = arith.andi %and3A_593, %lt3A_625 : i1
      %convert_element_type3A_627 = arith.extui %and3A_626 : i1 to i32
      %add3A_628 = arith.addi %add3A_588, %convert_element_type3A_627 : i32
      %select_n3A_629 = arith.select %and3A_626, %squeeze3A_487, %select_n3A_589 : i32
      %swap3A_630 = arith.constant 0 : i32
      %swap3A_631 = arith.index_cast %swap3A_630 : i32 to index
      %swap3A_632 = memref.load %arg13[%swap3A_631] : memref<8xi32, #tpu.memory_space<smem>>
      memref.store %add3A_628, %arg13[%swap3A_631] : memref<8xi32, #tpu.memory_space<smem>>
    } else {
    }
    %get3A_46 = arith.constant 0 : i32
    %get3A_47 = arith.index_cast %get3A_46 : i32 to index
    %get3A_48 = memref.load %arg13[%get3A_47] : memref<8xi32, #tpu.memory_space<smem>>
    %lt3A_49 = arith.constant 3 : i32
    %lt3A_50 = arith.cmpi slt, %get3A_48, %lt3A_49 : i32
    %convert_element_type3A_51 = arith.extui %lt3A_50 : i1 to i32
    %cond3A_52 = arith.constant 0 : i32
    %cond3A_53 = arith.cmpi ne, %convert_element_type3A_51, %cond3A_52 : i32
    scf.if %cond3A_53 {
      %scan3A = arith.constant 0 : i32
      %scan3A_57 = arith.constant 0 : i32
      %scan3A_58 = arith.constant 256 : i32
      %scan3A_59 = arith.addi %scan3A_57, %scan3A_58 : i32
      %scan3A_60 = arith.constant 1 : i32
      scf.for %scan3A_62 = %scan3A_57 to %scan3A_59 step %scan3A_60  : i32 {
        %get3A_63 = arith.constant 0 : i32
        %get3A_64 = arith.index_cast %get3A_63 : i32 to index
        %get3A_65 = memref.load %arg13[%get3A_64] : memref<8xi32, #tpu.memory_space<smem>>
        %lt3A_66 = arith.constant 3 : i32
        %lt3A_67 = arith.cmpi slt, %get3A_65, %lt3A_66 : i32
        %convert_element_type3A_68 = arith.extui %lt3A_67 : i1 to i32
        %cond3A_69 = arith.constant 0 : i32
        %cond3A_70 = arith.cmpi ne, %convert_element_type3A_68, %cond3A_69 : i32
        scf.if %cond3A_70 {
          %shift_right_arithmetic3A = arith.constant 4 : i32
          %shift_right_arithmetic3A_71 = arith.shrsi %scan3A_62, %shift_right_arithmetic3A : i32
          %and3A_72 = arith.constant 15 : i32
          %and3A_73 = arith.andi %scan3A_62, %and3A_72 : i32
          %mul3A = arith.constant 32 : i32
          %mul3A_74 = arith.muli %and3A_73, %mul3A : i32
          %mul3A_75 = arith.constant 512 : i32
          %mul3A_76 = arith.muli %shift_right_arithmetic3A_71, %mul3A_75 : i32
          %add3A_77 = arith.addi %mul3A_76, %mul3A_74 : i32
          %mul3A_78 = arith.constant 1024 : i32
          %mul3A_79 = arith.muli %add3A_77, %mul3A_78 : i32
          %multiple_of3A = tpu.assume_multiple %mul3A_74, 8 : i32
          "tpu.region"() ({
            %run_scoped3A = tpu.sem_alloc : memref<!tpu.dma_semaphore, #tpu.memory_space<semaphore_mem>>
            %dma_start3A_341 = arith.constant 0 : i32
            %dma_start3A_342 = tpu.memref_slice %arg2[%shift_right_arithmetic3A_71, %multiple_of3A, %dma_start3A_341] : memref<16x512x1024xf32, #tpu.memory_space<hbm>> -> memref<1x32x1024xf32, #tpu.memory_space<hbm>>
            %dma_start3A_343 = tpu.memref_squeeze %dma_start3A_342 : memref<1x32x1024xf32, #tpu.memory_space<hbm>> -> memref<32x1024xf32, #tpu.memory_space<hbm>>
            %dma_start3A_344 = arith.constant 0 : i32
            %dma_start3A_345 = tpu.memref_slice %arg2[%shift_right_arithmetic3A_71, %multiple_of3A, %dma_start3A_344] : memref<16x512x1024xf32, #tpu.memory_space<hbm>> -> memref<1x32x1024xf32, #tpu.memory_space<hbm>>
            %dma_start3A_346 = tpu.memref_squeeze %dma_start3A_345 : memref<1x32x1024xf32, #tpu.memory_space<hbm>> -> memref<32x1024xf32, #tpu.memory_space<hbm>>
            tpu.enqueue_dma source(%dma_start3A_346 : memref<32x1024xf32, #tpu.memory_space<hbm>>) target(%arg7 : memref<32x1024xf32, #tpu.memory_space<vmem>>) target_semaphore(%run_scoped3A : memref<!tpu.dma_semaphore, #tpu.memory_space<semaphore_mem>>)
            %dma_wait3A_347 = arith.constant 0 : i32
            %dma_wait3A_348 = tpu.memref_slice %arg2[%shift_right_arithmetic3A_71, %multiple_of3A, %dma_wait3A_347] : memref<16x512x1024xf32, #tpu.memory_space<hbm>> -> memref<1x32x1024xf32, #tpu.memory_space<hbm>>
            %dma_wait3A_349 = tpu.memref_squeeze %dma_wait3A_348 : memref<1x32x1024xf32, #tpu.memory_space<hbm>> -> memref<32x1024xf32, #tpu.memory_space<hbm>>
            %dma_wait3A_350 = arith.constant 0 : i32
            %dma_wait3A_351 = tpu.memref_slice %arg2[%shift_right_arithmetic3A_71, %multiple_of3A, %dma_wait3A_350] : memref<16x512x1024xf32, #tpu.memory_space<hbm>> -> memref<1x32x1024xf32, #tpu.memory_space<hbm>>
            %dma_wait3A_352 = tpu.memref_squeeze %dma_wait3A_351 : memref<1x32x1024xf32, #tpu.memory_space<hbm>> -> memref<32x1024xf32, #tpu.memory_space<hbm>>
            tpu.wait_dma2 semaphore(%run_scoped3A : memref<!tpu.dma_semaphore, #tpu.memory_space<semaphore_mem>>) src(%dma_wait3A_352 : memref<32x1024xf32, #tpu.memory_space<hbm>>) dst(%arg7 : memref<32x1024xf32, #tpu.memory_space<vmem>>)
            tpu.yield
          }) : () -> ()
          %scan3A_80 = arith.constant 0 : i32
          %scan3A_81 = arith.constant 128 : i32
          %scan3A_82 = arith.addi %scan3A_80, %scan3A_81 : i32
          %scan3A_83 = arith.constant 1 : i32
          %scan3A_84:3 = scf.for %scan3A_341 = %scan3A_80 to %scan3A_82 step %scan3A_83 iter_args(%scan3A_342 = %add3A_5, %scan3A_343 = %add3A_5, %scan3A_344 = %add3A_5) -> (vector<16xi32>, vector<16xi32>, vector<16xi32>)  : i32 {
            %shift_right_arithmetic3A_345 = arith.constant 2 : i32
            %shift_right_arithmetic3A_346 = arith.shrsi %scan3A_341, %shift_right_arithmetic3A_345 : i32
            %and3A_347 = arith.constant 3 : i32
            %and3A_348 = arith.andi %scan3A_341, %and3A_347 : i32
            %mul3A_349 = arith.constant 256 : i32
            %mul3A_350 = arith.muli %and3A_348, %mul3A_349 : i32
            %mul3A_351 = arith.constant 1024 : i32
            %mul3A_352 = arith.muli %shift_right_arithmetic3A_346, %mul3A_351 : i32
            %add3A_353 = arith.addi %mul3A_79, %mul3A_352 : i32
            %add3A_354 = arith.addi %add3A_353, %mul3A_350 : i32
            %add3A_355 = arith.constant 0 : i32
            %add3A_356 = arith.addi %mul3A_350, %add3A_355 : i32
            %get3A_357 = arith.index_cast %shift_right_arithmetic3A_346 : i32 to index
            %get3A_358 = arith.index_cast %add3A_356 : i32 to index
            %get3A_359 = tpu.vector_load %arg7[%get3A_357, %get3A_358] {strides = array<i32>} : memref<32x1024xf32, #tpu.memory_space<vmem>>, vector<1x16xf32>,
            %get3A_360 = vector.shape_cast %get3A_359 : vector<1x16xf32> to vector<16xf32>
            %gt3A_361 = arith.constant 0.000000e+00 : f32
            %gt3A_362 = vector.broadcast %gt3A_361 : f32 to vector<16xf32>
            %gt3A_363 = arith.cmpf ogt, %get3A_360, %gt3A_362 : vector<16xf32>
            %lt3A_364 = arith.cmpf olt, %get3A_360, %get3A_21 : vector<16xf32>
            %and3A_365 = arith.andi %gt3A_363, %lt3A_364 : vector<16xi1>
            %add3A_366 = arith.constant 0 : i32
            %add3A_367 = arith.addi %add3A_354, %add3A_366 : i32
            %add3A_368 = vector.broadcast %add3A_367 : i32 to vector<16xi32>
            %add3A_369 = arith.addi %add3A_368, %iota3A : vector<16xi32>
            %select_n3A_370 = arith.select %and3A_365, %add3A_369, %add3A_5 : vector<16xi1>, vector<16xi32>
            %min3A_371 = arith.minsi %scan3A_342, %select_n3A_370 : vector<16xi32>
            %max3A = arith.maxsi %scan3A_342, %select_n3A_370 : vector<16xi32>
            %min3A_372 = arith.minsi %scan3A_343, %max3A : vector<16xi32>
            %max3A_373 = arith.maxsi %scan3A_343, %max3A : vector<16xi32>
            %min3A_374 = arith.minsi %scan3A_344, %max3A_373 : vector<16xi32>
            %add3A_375 = arith.constant 16 : i32
            %add3A_376 = arith.addi %mul3A_350, %add3A_375 : i32
            %get3A_377 = arith.index_cast %shift_right_arithmetic3A_346 : i32 to index
            %get3A_378 = arith.index_cast %add3A_376 : i32 to index
            %get3A_379 = tpu.vector_load %arg7[%get3A_377, %get3A_378] {strides = array<i32>} : memref<32x1024xf32, #tpu.memory_space<vmem>>, vector<1x16xf32>,
            %get3A_380 = vector.shape_cast %get3A_379 : vector<1x16xf32> to vector<16xf32>
            %gt3A_381 = arith.constant 0.000000e+00 : f32
            %gt3A_382 = vector.broadcast %gt3A_381 : f32 to vector<16xf32>
            %gt3A_383 = arith.cmpf ogt, %get3A_380, %gt3A_382 : vector<16xf32>
            %lt3A_384 = arith.cmpf olt, %get3A_380, %get3A_21 : vector<16xf32>
            %and3A_385 = arith.andi %gt3A_383, %lt3A_384 : vector<16xi1>
            %add3A_386 = arith.constant 16 : i32
            %add3A_387 = arith.addi %add3A_354, %add3A_386 : i32
            %add3A_388 = vector.broadcast %add3A_387 : i32 to vector<16xi32>
            %add3A_389 = arith.addi %add3A_388, %iota3A : vector<16xi32>
            %select_n3A_390 = arith.select %and3A_385, %add3A_389, %add3A_5 : vector<16xi1>, vector<16xi32>
            %min3A_391 = arith.minsi %min3A_371, %select_n3A_390 : vector<16xi32>
            %max3A_392 = arith.maxsi %min3A_371, %select_n3A_390 : vector<16xi32>
            %min3A_393 = arith.minsi %min3A_372, %max3A_392 : vector<16xi32>
            %max3A_394 = arith.maxsi %min3A_372, %max3A_392 : vector<16xi32>
            %min3A_395 = arith.minsi %min3A_374, %max3A_394 : vector<16xi32>
            %add3A_396 = arith.constant 32 : i32
            %add3A_397 = arith.addi %mul3A_350, %add3A_396 : i32
            %get3A_398 = arith.index_cast %shift_right_arithmetic3A_346 : i32 to index
            %get3A_399 = arith.index_cast %add3A_397 : i32 to index
            %get3A_400 = tpu.vector_load %arg7[%get3A_398, %get3A_399] {strides = array<i32>} : memref<32x1024xf32, #tpu.memory_space<vmem>>, vector<1x16xf32>,
            %get3A_401 = vector.shape_cast %get3A_400 : vector<1x16xf32> to vector<16xf32>
            %gt3A_402 = arith.constant 0.000000e+00 : f32
            %gt3A_403 = vector.broadcast %gt3A_402 : f32 to vector<16xf32>
            %gt3A_404 = arith.cmpf ogt, %get3A_401, %gt3A_403 : vector<16xf32>
            %lt3A_405 = arith.cmpf olt, %get3A_401, %get3A_21 : vector<16xf32>
            %and3A_406 = arith.andi %gt3A_404, %lt3A_405 : vector<16xi1>
            %add3A_407 = arith.constant 32 : i32
            %add3A_408 = arith.addi %add3A_354, %add3A_407 : i32
            %add3A_409 = vector.broadcast %add3A_408 : i32 to vector<16xi32>
            %add3A_410 = arith.addi %add3A_409, %iota3A : vector<16xi32>
            %select_n3A_411 = arith.select %and3A_406, %add3A_410, %add3A_5 : vector<16xi1>, vector<16xi32>
            %min3A_412 = arith.minsi %min3A_391, %select_n3A_411 : vector<16xi32>
            %max3A_413 = arith.maxsi %min3A_391, %select_n3A_411 : vector<16xi32>
            %min3A_414 = arith.minsi %min3A_393, %max3A_413 : vector<16xi32>
            %max3A_415 = arith.maxsi %min3A_393, %max3A_413 : vector<16xi32>
            %min3A_416 = arith.minsi %min3A_395, %max3A_415 : vector<16xi32>
            %add3A_417 = arith.constant 48 : i32
            %add3A_418 = arith.addi %mul3A_350, %add3A_417 : i32
            %get3A_419 = arith.index_cast %shift_right_arithmetic3A_346 : i32 to index
            %get3A_420 = arith.index_cast %add3A_418 : i32 to index
            %get3A_421 = tpu.vector_load %arg7[%get3A_419, %get3A_420] {strides = array<i32>} : memref<32x1024xf32, #tpu.memory_space<vmem>>, vector<1x16xf32>,
            %get3A_422 = vector.shape_cast %get3A_421 : vector<1x16xf32> to vector<16xf32>
            %gt3A_423 = arith.constant 0.000000e+00 : f32
            %gt3A_424 = vector.broadcast %gt3A_423 : f32 to vector<16xf32>
            %gt3A_425 = arith.cmpf ogt, %get3A_422, %gt3A_424 : vector<16xf32>
            %lt3A_426 = arith.cmpf olt, %get3A_422, %get3A_21 : vector<16xf32>
            %and3A_427 = arith.andi %gt3A_425, %lt3A_426 : vector<16xi1>
            %add3A_428 = arith.constant 48 : i32
            %add3A_429 = arith.addi %add3A_354, %add3A_428 : i32
            %add3A_430 = vector.broadcast %add3A_429 : i32 to vector<16xi32>
            %add3A_431 = arith.addi %add3A_430, %iota3A : vector<16xi32>
            %select_n3A_432 = arith.select %and3A_427, %add3A_431, %add3A_5 : vector<16xi1>, vector<16xi32>
            %min3A_433 = arith.minsi %min3A_412, %select_n3A_432 : vector<16xi32>
            %max3A_434 = arith.maxsi %min3A_412, %select_n3A_432 : vector<16xi32>
            %min3A_435 = arith.minsi %min3A_414, %max3A_434 : vector<16xi32>
            %max3A_436 = arith.maxsi %min3A_414, %max3A_434 : vector<16xi32>
            %min3A_437 = arith.minsi %min3A_416, %max3A_436 : vector<16xi32>
            %add3A_438 = arith.constant 64 : i32
            %add3A_439 = arith.addi %mul3A_350, %add3A_438 : i32
            %get3A_440 = arith.index_cast %shift_right_arithmetic3A_346 : i32 to index
            %get3A_441 = arith.index_cast %add3A_439 : i32 to index
            %get3A_442 = tpu.vector_load %arg7[%get3A_440, %get3A_441] {strides = array<i32>} : memref<32x1024xf32, #tpu.memory_space<vmem>>, vector<1x16xf32>,
            %get3A_443 = vector.shape_cast %get3A_442 : vector<1x16xf32> to vector<16xf32>
            %gt3A_444 = arith.constant 0.000000e+00 : f32
            %gt3A_445 = vector.broadcast %gt3A_444 : f32 to vector<16xf32>
            %gt3A_446 = arith.cmpf ogt, %get3A_443, %gt3A_445 : vector<16xf32>
            %lt3A_447 = arith.cmpf olt, %get3A_443, %get3A_21 : vector<16xf32>
            %and3A_448 = arith.andi %gt3A_446, %lt3A_447 : vector<16xi1>
            %add3A_449 = arith.constant 64 : i32
            %add3A_450 = arith.addi %add3A_354, %add3A_449 : i32
            %add3A_451 = vector.broadcast %add3A_450 : i32 to vector<16xi32>
            %add3A_452 = arith.addi %add3A_451, %iota3A : vector<16xi32>
            %select_n3A_453 = arith.select %and3A_448, %add3A_452, %add3A_5 : vector<16xi1>, vector<16xi32>
            %min3A_454 = arith.minsi %min3A_433, %select_n3A_453 : vector<16xi32>
            %max3A_455 = arith.maxsi %min3A_433, %select_n3A_453 : vector<16xi32>
            %min3A_456 = arith.minsi %min3A_435, %max3A_455 : vector<16xi32>
            %max3A_457 = arith.maxsi %min3A_435, %max3A_455 : vector<16xi32>
            %min3A_458 = arith.minsi %min3A_437, %max3A_457 : vector<16xi32>
            %add3A_459 = arith.constant 80 : i32
            %add3A_460 = arith.addi %mul3A_350, %add3A_459 : i32
            %get3A_461 = arith.index_cast %shift_right_arithmetic3A_346 : i32 to index
            %get3A_462 = arith.index_cast %add3A_460 : i32 to index
            %get3A_463 = tpu.vector_load %arg7[%get3A_461, %get3A_462] {strides = array<i32>} : memref<32x1024xf32, #tpu.memory_space<vmem>>, vector<1x16xf32>,
            %get3A_464 = vector.shape_cast %get3A_463 : vector<1x16xf32> to vector<16xf32>
            %gt3A_465 = arith.constant 0.000000e+00 : f32
            %gt3A_466 = vector.broadcast %gt3A_465 : f32 to vector<16xf32>
            %gt3A_467 = arith.cmpf ogt, %get3A_464, %gt3A_466 : vector<16xf32>
            %lt3A_468 = arith.cmpf olt, %get3A_464, %get3A_21 : vector<16xf32>
            %and3A_469 = arith.andi %gt3A_467, %lt3A_468 : vector<16xi1>
            %add3A_470 = arith.constant 80 : i32
            %add3A_471 = arith.addi %add3A_354, %add3A_470 : i32
            %add3A_472 = vector.broadcast %add3A_471 : i32 to vector<16xi32>
            %add3A_473 = arith.addi %add3A_472, %iota3A : vector<16xi32>
            %select_n3A_474 = arith.select %and3A_469, %add3A_473, %add3A_5 : vector<16xi1>, vector<16xi32>
            %min3A_475 = arith.minsi %min3A_454, %select_n3A_474 : vector<16xi32>
            %max3A_476 = arith.maxsi %min3A_454, %select_n3A_474 : vector<16xi32>
            %min3A_477 = arith.minsi %min3A_456, %max3A_476 : vector<16xi32>
            %max3A_478 = arith.maxsi %min3A_456, %max3A_476 : vector<16xi32>
            %min3A_479 = arith.minsi %min3A_458, %max3A_478 : vector<16xi32>
            %add3A_480 = arith.constant 96 : i32
            %add3A_481 = arith.addi %mul3A_350, %add3A_480 : i32
            %get3A_482 = arith.index_cast %shift_right_arithmetic3A_346 : i32 to index
            %get3A_483 = arith.index_cast %add3A_481 : i32 to index
            %get3A_484 = tpu.vector_load %arg7[%get3A_482, %get3A_483] {strides = array<i32>} : memref<32x1024xf32, #tpu.memory_space<vmem>>, vector<1x16xf32>,
            %get3A_485 = vector.shape_cast %get3A_484 : vector<1x16xf32> to vector<16xf32>
            %gt3A_486 = arith.constant 0.000000e+00 : f32
            %gt3A_487 = vector.broadcast %gt3A_486 : f32 to vector<16xf32>
            %gt3A_488 = arith.cmpf ogt, %get3A_485, %gt3A_487 : vector<16xf32>
            %lt3A_489 = arith.cmpf olt, %get3A_485, %get3A_21 : vector<16xf32>
            %and3A_490 = arith.andi %gt3A_488, %lt3A_489 : vector<16xi1>
            %add3A_491 = arith.constant 96 : i32
            %add3A_492 = arith.addi %add3A_354, %add3A_491 : i32
            %add3A_493 = vector.broadcast %add3A_492 : i32 to vector<16xi32>
            %add3A_494 = arith.addi %add3A_493, %iota3A : vector<16xi32>
            %select_n3A_495 = arith.select %and3A_490, %add3A_494, %add3A_5 : vector<16xi1>, vector<16xi32>
            %min3A_496 = arith.minsi %min3A_475, %select_n3A_495 : vector<16xi32>
            %max3A_497 = arith.maxsi %min3A_475, %select_n3A_495 : vector<16xi32>
            %min3A_498 = arith.minsi %min3A_477, %max3A_497 : vector<16xi32>
            %max3A_499 = arith.maxsi %min3A_477, %max3A_497 : vector<16xi32>
            %min3A_500 = arith.minsi %min3A_479, %max3A_499 : vector<16xi32>
            %add3A_501 = arith.constant 112 : i32
            %add3A_502 = arith.addi %mul3A_350, %add3A_501 : i32
            %get3A_503 = arith.index_cast %shift_right_arithmetic3A_346 : i32 to index
            %get3A_504 = arith.index_cast %add3A_502 : i32 to index
            %get3A_505 = tpu.vector_load %arg7[%get3A_503, %get3A_504] {strides = array<i32>} : memref<32x1024xf32, #tpu.memory_space<vmem>>, vector<1x16xf32>,
            %get3A_506 = vector.shape_cast %get3A_505 : vector<1x16xf32> to vector<16xf32>
            %gt3A_507 = arith.constant 0.000000e+00 : f32
            %gt3A_508 = vector.broadcast %gt3A_507 : f32 to vector<16xf32>
            %gt3A_509 = arith.cmpf ogt, %get3A_506, %gt3A_508 : vector<16xf32>
            %lt3A_510 = arith.cmpf olt, %get3A_506, %get3A_21 : vector<16xf32>
            %and3A_511 = arith.andi %gt3A_509, %lt3A_510 : vector<16xi1>
            %add3A_512 = arith.constant 112 : i32
            %add3A_513 = arith.addi %add3A_354, %add3A_512 : i32
            %add3A_514 = vector.broadcast %add3A_513 : i32 to vector<16xi32>
            %add3A_515 = arith.addi %add3A_514, %iota3A : vector<16xi32>
            %select_n3A_516 = arith.select %and3A_511, %add3A_515, %add3A_5 : vector<16xi1>, vector<16xi32>
            %min3A_517 = arith.minsi %min3A_496, %select_n3A_516 : vector<16xi32>
            %max3A_518 = arith.maxsi %min3A_496, %select_n3A_516 : vector<16xi32>
            %min3A_519 = arith.minsi %min3A_498, %max3A_518 : vector<16xi32>
            %max3A_520 = arith.maxsi %min3A_498, %max3A_518 : vector<16xi32>
            %min3A_521 = arith.minsi %min3A_500, %max3A_520 : vector<16xi32>
            %add3A_522 = arith.constant 128 : i32
            %add3A_523 = arith.addi %mul3A_350, %add3A_522 : i32
            %get3A_524 = arith.index_cast %shift_right_arithmetic3A_346 : i32 to index
            %get3A_525 = arith.index_cast %add3A_523 : i32 to index
            %get3A_526 = tpu.vector_load %arg7[%get3A_524, %get3A_525] {strides = array<i32>} : memref<32x1024xf32, #tpu.memory_space<vmem>>, vector<1x16xf32>,
            %get3A_527 = vector.shape_cast %get3A_526 : vector<1x16xf32> to vector<16xf32>
            %gt3A_528 = arith.constant 0.000000e+00 : f32
            %gt3A_529 = vector.broadcast %gt3A_528 : f32 to vector<16xf32>
            %gt3A_530 = arith.cmpf ogt, %get3A_527, %gt3A_529 : vector<16xf32>
            %lt3A_531 = arith.cmpf olt, %get3A_527, %get3A_21 : vector<16xf32>
            %and3A_532 = arith.andi %gt3A_530, %lt3A_531 : vector<16xi1>
            %add3A_533 = arith.constant 128 : i32
            %add3A_534 = arith.addi %add3A_354, %add3A_533 : i32
            %add3A_535 = vector.broadcast %add3A_534 : i32 to vector<16xi32>
            %add3A_536 = arith.addi %add3A_535, %iota3A : vector<16xi32>
            %select_n3A_537 = arith.select %and3A_532, %add3A_536, %add3A_5 : vector<16xi1>, vector<16xi32>
            %min3A_538 = arith.minsi %min3A_517, %select_n3A_537 : vector<16xi32>
            %max3A_539 = arith.maxsi %min3A_517, %select_n3A_537 : vector<16xi32>
            %min3A_540 = arith.minsi %min3A_519, %max3A_539 : vector<16xi32>
            %max3A_541 = arith.maxsi %min3A_519, %max3A_539 : vector<16xi32>
            %min3A_542 = arith.minsi %min3A_521, %max3A_541 : vector<16xi32>
            %add3A_543 = arith.constant 144 : i32
            %add3A_544 = arith.addi %mul3A_350, %add3A_543 : i32
            %get3A_545 = arith.index_cast %shift_right_arithmetic3A_346 : i32 to index
            %get3A_546 = arith.index_cast %add3A_544 : i32 to index
            %get3A_547 = tpu.vector_load %arg7[%get3A_545, %get3A_546] {strides = array<i32>} : memref<32x1024xf32, #tpu.memory_space<vmem>>, vector<1x16xf32>,
            %get3A_548 = vector.shape_cast %get3A_547 : vector<1x16xf32> to vector<16xf32>
            %gt3A_549 = arith.constant 0.000000e+00 : f32
            %gt3A_550 = vector.broadcast %gt3A_549 : f32 to vector<16xf32>
            %gt3A_551 = arith.cmpf ogt, %get3A_548, %gt3A_550 : vector<16xf32>
            %lt3A_552 = arith.cmpf olt, %get3A_548, %get3A_21 : vector<16xf32>
            %and3A_553 = arith.andi %gt3A_551, %lt3A_552 : vector<16xi1>
            %add3A_554 = arith.constant 144 : i32
            %add3A_555 = arith.addi %add3A_354, %add3A_554 : i32
            %add3A_556 = vector.broadcast %add3A_555 : i32 to vector<16xi32>
            %add3A_557 = arith.addi %add3A_556, %iota3A : vector<16xi32>
            %select_n3A_558 = arith.select %and3A_553, %add3A_557, %add3A_5 : vector<16xi1>, vector<16xi32>
            %min3A_559 = arith.minsi %min3A_538, %select_n3A_558 : vector<16xi32>
            %max3A_560 = arith.maxsi %min3A_538, %select_n3A_558 : vector<16xi32>
            %min3A_561 = arith.minsi %min3A_540, %max3A_560 : vector<16xi32>
            %max3A_562 = arith.maxsi %min3A_540, %max3A_560 : vector<16xi32>
            %min3A_563 = arith.minsi %min3A_542, %max3A_562 : vector<16xi32>
            %add3A_564 = arith.constant 160 : i32
            %add3A_565 = arith.addi %mul3A_350, %add3A_564 : i32
            %get3A_566 = arith.index_cast %shift_right_arithmetic3A_346 : i32 to index
            %get3A_567 = arith.index_cast %add3A_565 : i32 to index
            %get3A_568 = tpu.vector_load %arg7[%get3A_566, %get3A_567] {strides = array<i32>} : memref<32x1024xf32, #tpu.memory_space<vmem>>, vector<1x16xf32>,
            %get3A_569 = vector.shape_cast %get3A_568 : vector<1x16xf32> to vector<16xf32>
            %gt3A_570 = arith.constant 0.000000e+00 : f32
            %gt3A_571 = vector.broadcast %gt3A_570 : f32 to vector<16xf32>
            %gt3A_572 = arith.cmpf ogt, %get3A_569, %gt3A_571 : vector<16xf32>
            %lt3A_573 = arith.cmpf olt, %get3A_569, %get3A_21 : vector<16xf32>
            %and3A_574 = arith.andi %gt3A_572, %lt3A_573 : vector<16xi1>
            %add3A_575 = arith.constant 160 : i32
            %add3A_576 = arith.addi %add3A_354, %add3A_575 : i32
            %add3A_577 = vector.broadcast %add3A_576 : i32 to vector<16xi32>
            %add3A_578 = arith.addi %add3A_577, %iota3A : vector<16xi32>
            %select_n3A_579 = arith.select %and3A_574, %add3A_578, %add3A_5 : vector<16xi1>, vector<16xi32>
            %min3A_580 = arith.minsi %min3A_559, %select_n3A_579 : vector<16xi32>
            %max3A_581 = arith.maxsi %min3A_559, %select_n3A_579 : vector<16xi32>
            %min3A_582 = arith.minsi %min3A_561, %max3A_581 : vector<16xi32>
            %max3A_583 = arith.maxsi %min3A_561, %max3A_581 : vector<16xi32>
            %min3A_584 = arith.minsi %min3A_563, %max3A_583 : vector<16xi32>
            %add3A_585 = arith.constant 176 : i32
            %add3A_586 = arith.addi %mul3A_350, %add3A_585 : i32
            %get3A_587 = arith.index_cast %shift_right_arithmetic3A_346 : i32 to index
            %get3A_588 = arith.index_cast %add3A_586 : i32 to index
            %get3A_589 = tpu.vector_load %arg7[%get3A_587, %get3A_588] {strides = array<i32>} : memref<32x1024xf32, #tpu.memory_space<vmem>>, vector<1x16xf32>,
            %get3A_590 = vector.shape_cast %get3A_589 : vector<1x16xf32> to vector<16xf32>
            %gt3A_591 = arith.constant 0.000000e+00 : f32
            %gt3A_592 = vector.broadcast %gt3A_591 : f32 to vector<16xf32>
            %gt3A_593 = arith.cmpf ogt, %get3A_590, %gt3A_592 : vector<16xf32>
            %lt3A_594 = arith.cmpf olt, %get3A_590, %get3A_21 : vector<16xf32>
            %and3A_595 = arith.andi %gt3A_593, %lt3A_594 : vector<16xi1>
            %add3A_596 = arith.constant 176 : i32
            %add3A_597 = arith.addi %add3A_354, %add3A_596 : i32
            %add3A_598 = vector.broadcast %add3A_597 : i32 to vector<16xi32>
            %add3A_599 = arith.addi %add3A_598, %iota3A : vector<16xi32>
            %select_n3A_600 = arith.select %and3A_595, %add3A_599, %add3A_5 : vector<16xi1>, vector<16xi32>
            %min3A_601 = arith.minsi %min3A_580, %select_n3A_600 : vector<16xi32>
            %max3A_602 = arith.maxsi %min3A_580, %select_n3A_600 : vector<16xi32>
            %min3A_603 = arith.minsi %min3A_582, %max3A_602 : vector<16xi32>
            %max3A_604 = arith.maxsi %min3A_582, %max3A_602 : vector<16xi32>
            %min3A_605 = arith.minsi %min3A_584, %max3A_604 : vector<16xi32>
            %add3A_606 = arith.constant 192 : i32
            %add3A_607 = arith.addi %mul3A_350, %add3A_606 : i32
            %get3A_608 = arith.index_cast %shift_right_arithmetic3A_346 : i32 to index
            %get3A_609 = arith.index_cast %add3A_607 : i32 to index
            %get3A_610 = tpu.vector_load %arg7[%get3A_608, %get3A_609] {strides = array<i32>} : memref<32x1024xf32, #tpu.memory_space<vmem>>, vector<1x16xf32>,
            %get3A_611 = vector.shape_cast %get3A_610 : vector<1x16xf32> to vector<16xf32>
            %gt3A_612 = arith.constant 0.000000e+00 : f32
            %gt3A_613 = vector.broadcast %gt3A_612 : f32 to vector<16xf32>
            %gt3A_614 = arith.cmpf ogt, %get3A_611, %gt3A_613 : vector<16xf32>
            %lt3A_615 = arith.cmpf olt, %get3A_611, %get3A_21 : vector<16xf32>
            %and3A_616 = arith.andi %gt3A_614, %lt3A_615 : vector<16xi1>
            %add3A_617 = arith.constant 192 : i32
            %add3A_618 = arith.addi %add3A_354, %add3A_617 : i32
            %add3A_619 = vector.broadcast %add3A_618 : i32 to vector<16xi32>
            %add3A_620 = arith.addi %add3A_619, %iota3A : vector<16xi32>
            %select_n3A_621 = arith.select %and3A_616, %add3A_620, %add3A_5 : vector<16xi1>, vector<16xi32>
            %min3A_622 = arith.minsi %min3A_601, %select_n3A_621 : vector<16xi32>
            %max3A_623 = arith.maxsi %min3A_601, %select_n3A_621 : vector<16xi32>
            %min3A_624 = arith.minsi %min3A_603, %max3A_623 : vector<16xi32>
            %max3A_625 = arith.maxsi %min3A_603, %max3A_623 : vector<16xi32>
            %min3A_626 = arith.minsi %min3A_605, %max3A_625 : vector<16xi32>
            %add3A_627 = arith.constant 208 : i32
            %add3A_628 = arith.addi %mul3A_350, %add3A_627 : i32
            %get3A_629 = arith.index_cast %shift_right_arithmetic3A_346 : i32 to index
            %get3A_630 = arith.index_cast %add3A_628 : i32 to index
            %get3A_631 = tpu.vector_load %arg7[%get3A_629, %get3A_630] {strides = array<i32>} : memref<32x1024xf32, #tpu.memory_space<vmem>>, vector<1x16xf32>,
            %get3A_632 = vector.shape_cast %get3A_631 : vector<1x16xf32> to vector<16xf32>
            %gt3A_633 = arith.constant 0.000000e+00 : f32
            %gt3A_634 = vector.broadcast %gt3A_633 : f32 to vector<16xf32>
            %gt3A_635 = arith.cmpf ogt, %get3A_632, %gt3A_634 : vector<16xf32>
            %lt3A_636 = arith.cmpf olt, %get3A_632, %get3A_21 : vector<16xf32>
            %and3A_637 = arith.andi %gt3A_635, %lt3A_636 : vector<16xi1>
            %add3A_638 = arith.constant 208 : i32
            %add3A_639 = arith.addi %add3A_354, %add3A_638 : i32
            %add3A_640 = vector.broadcast %add3A_639 : i32 to vector<16xi32>
            %add3A_641 = arith.addi %add3A_640, %iota3A : vector<16xi32>
            %select_n3A_642 = arith.select %and3A_637, %add3A_641, %add3A_5 : vector<16xi1>, vector<16xi32>
            %min3A_643 = arith.minsi %min3A_622, %select_n3A_642 : vector<16xi32>
            %max3A_644 = arith.maxsi %min3A_622, %select_n3A_642 : vector<16xi32>
            %min3A_645 = arith.minsi %min3A_624, %max3A_644 : vector<16xi32>
            %max3A_646 = arith.maxsi %min3A_624, %max3A_644 : vector<16xi32>
            %min3A_647 = arith.minsi %min3A_626, %max3A_646 : vector<16xi32>
            %add3A_648 = arith.constant 224 : i32
            %add3A_649 = arith.addi %mul3A_350, %add3A_648 : i32
            %get3A_650 = arith.index_cast %shift_right_arithmetic3A_346 : i32 to index
            %get3A_651 = arith.index_cast %add3A_649 : i32 to index
            %get3A_652 = tpu.vector_load %arg7[%get3A_650, %get3A_651] {strides = array<i32>} : memref<32x1024xf32, #tpu.memory_space<vmem>>, vector<1x16xf32>,
            %get3A_653 = vector.shape_cast %get3A_652 : vector<1x16xf32> to vector<16xf32>
            %gt3A_654 = arith.constant 0.000000e+00 : f32
            %gt3A_655 = vector.broadcast %gt3A_654 : f32 to vector<16xf32>
            %gt3A_656 = arith.cmpf ogt, %get3A_653, %gt3A_655 : vector<16xf32>
            %lt3A_657 = arith.cmpf olt, %get3A_653, %get3A_21 : vector<16xf32>
            %and3A_658 = arith.andi %gt3A_656, %lt3A_657 : vector<16xi1>
            %add3A_659 = arith.constant 224 : i32
            %add3A_660 = arith.addi %add3A_354, %add3A_659 : i32
            %add3A_661 = vector.broadcast %add3A_660 : i32 to vector<16xi32>
            %add3A_662 = arith.addi %add3A_661, %iota3A : vector<16xi32>
            %select_n3A_663 = arith.select %and3A_658, %add3A_662, %add3A_5 : vector<16xi1>, vector<16xi32>
            %min3A_664 = arith.minsi %min3A_643, %select_n3A_663 : vector<16xi32>
            %max3A_665 = arith.maxsi %min3A_643, %select_n3A_663 : vector<16xi32>
            %min3A_666 = arith.minsi %min3A_645, %max3A_665 : vector<16xi32>
            %max3A_667 = arith.maxsi %min3A_645, %max3A_665 : vector<16xi32>
            %min3A_668 = arith.minsi %min3A_647, %max3A_667 : vector<16xi32>
            %add3A_669 = arith.constant 240 : i32
            %add3A_670 = arith.addi %mul3A_350, %add3A_669 : i32
            %get3A_671 = arith.index_cast %shift_right_arithmetic3A_346 : i32 to index
            %get3A_672 = arith.index_cast %add3A_670 : i32 to index
            %get3A_673 = tpu.vector_load %arg7[%get3A_671, %get3A_672] {strides = array<i32>} : memref<32x1024xf32, #tpu.memory_space<vmem>>, vector<1x16xf32>,
            %get3A_674 = vector.shape_cast %get3A_673 : vector<1x16xf32> to vector<16xf32>
            %gt3A_675 = arith.constant 0.000000e+00 : f32
            %gt3A_676 = vector.broadcast %gt3A_675 : f32 to vector<16xf32>
            %gt3A_677 = arith.cmpf ogt, %get3A_674, %gt3A_676 : vector<16xf32>
            %lt3A_678 = arith.cmpf olt, %get3A_674, %get3A_21 : vector<16xf32>
            %and3A_679 = arith.andi %gt3A_677, %lt3A_678 : vector<16xi1>
            %add3A_680 = arith.constant 240 : i32
            %add3A_681 = arith.addi %add3A_354, %add3A_680 : i32
            %add3A_682 = vector.broadcast %add3A_681 : i32 to vector<16xi32>
            %add3A_683 = arith.addi %add3A_682, %iota3A : vector<16xi32>
            %select_n3A_684 = arith.select %and3A_679, %add3A_683, %add3A_5 : vector<16xi1>, vector<16xi32>
            %min3A_685 = arith.minsi %min3A_664, %select_n3A_684 : vector<16xi32>
            %max3A_686 = arith.maxsi %min3A_664, %select_n3A_684 : vector<16xi32>
            %min3A_687 = arith.minsi %min3A_666, %max3A_686 : vector<16xi32>
            %max3A_688 = arith.maxsi %min3A_666, %max3A_686 : vector<16xi32>
            %min3A_689 = arith.minsi %min3A_668, %max3A_688 : vector<16xi32>
            scf.yield %min3A_685, %min3A_687, %min3A_689 : vector<16xi32>, vector<16xi32>, vector<16xi32>
          }
          %scan3A_85 = arith.constant 128 : i32
          %swap3A_86 = arith.constant 0 : index
          %swap3A_87 = tpu.vector_load %arg11[%swap3A_86] {strides = array<i32>} : memref<32xi32, #tpu.memory_space<vmem>>, vector<16xi32>,
          %swap3A_88 = vector.shape_cast %swap3A_87 : vector<16xi32> to vector<16xi32>
          %swap3A_89 = vector.shape_cast %scan3A_84#0 : vector<16xi32> to vector<16xi32>
          tpu.vector_store %arg11[%swap3A_86], %swap3A_89 {strides = array<i32>} : memref<32xi32, #tpu.memory_space<vmem>>, vector<16xi32>,
          %get3A_90 = arith.constant 8 : index
          %get3A_91 = tpu.vector_load %arg11[%get3A_90] {strides = array<i32>} : memref<32xi32, #tpu.memory_space<vmem>>, vector<16xi32>,
          %get3A_92 = vector.shape_cast %get3A_91 : vector<16xi32> to vector<16xi32>
          %min3A = arith.minsi %scan3A_84#0, %get3A_92 : vector<16xi32>
          %swap3A_93 = arith.constant 0 : index
          %swap3A_94 = tpu.vector_load %arg11[%swap3A_93] {strides = array<i32>} : memref<32xi32, #tpu.memory_space<vmem>>, vector<16xi32>,
          %swap3A_95 = vector.shape_cast %swap3A_94 : vector<16xi32> to vector<16xi32>
          %swap3A_96 = vector.shape_cast %min3A : vector<16xi32> to vector<16xi32>
          tpu.vector_store %arg11[%swap3A_93], %swap3A_96 {strides = array<i32>} : memref<32xi32, #tpu.memory_space<vmem>>, vector<16xi32>,
          %get3A_97 = arith.constant 4 : index
          %get3A_98 = tpu.vector_load %arg11[%get3A_97] {strides = array<i32>} : memref<32xi32, #tpu.memory_space<vmem>>, vector<16xi32>,
          %get3A_99 = vector.shape_cast %get3A_98 : vector<16xi32> to vector<16xi32>
          %min3A_100 = arith.minsi %min3A, %get3A_99 : vector<16xi32>
          %swap3A_101 = arith.constant 0 : index
          %swap3A_102 = tpu.vector_load %arg11[%swap3A_101] {strides = array<i32>} : memref<32xi32, #tpu.memory_space<vmem>>, vector<16xi32>,
          %swap3A_103 = vector.shape_cast %swap3A_102 : vector<16xi32> to vector<16xi32>
          %swap3A_104 = vector.shape_cast %min3A_100 : vector<16xi32> to vector<16xi32>
          tpu.vector_store %arg11[%swap3A_101], %swap3A_104 {strides = array<i32>} : memref<32xi32, #tpu.memory_space<vmem>>, vector<16xi32>,
          %get3A_105 = arith.constant 2 : index
          %get3A_106 = tpu.vector_load %arg11[%get3A_105] {strides = array<i32>} : memref<32xi32, #tpu.memory_space<vmem>>, vector<16xi32>,
          %get3A_107 = vector.shape_cast %get3A_106 : vector<16xi32> to vector<16xi32>
          %min3A_108 = arith.minsi %min3A_100, %get3A_107 : vector<16xi32>
          %swap3A_109 = arith.constant 0 : index
          %swap3A_110 = tpu.vector_load %arg11[%swap3A_109] {strides = array<i32>} : memref<32xi32, #tpu.memory_space<vmem>>, vector<16xi32>,
          %swap3A_111 = vector.shape_cast %swap3A_110 : vector<16xi32> to vector<16xi32>
          %swap3A_112 = vector.shape_cast %min3A_108 : vector<16xi32> to vector<16xi32>
          tpu.vector_store %arg11[%swap3A_109], %swap3A_112 {strides = array<i32>} : memref<32xi32, #tpu.memory_space<vmem>>, vector<16xi32>,
          %get3A_113 = arith.constant 1 : index
          %get3A_114 = tpu.vector_load %arg11[%get3A_113] {strides = array<i32>} : memref<32xi32, #tpu.memory_space<vmem>>, vector<16xi32>,
          %get3A_115 = vector.shape_cast %get3A_114 : vector<16xi32> to vector<16xi32>
          %min3A_116 = arith.minsi %min3A_108, %get3A_115 : vector<16xi32>
          %slice3A = vector.extract_strided_slice %min3A_116 {offsets = [0], sizes = [1], strides = [1]} : vector<16xi32> to vector<1xi32>
          %squeeze3A = vector.extract %slice3A[0] : i32 from vector<1xi32>
          %gt3A = vector.broadcast %squeeze3A : i32 to vector<16xi32>
          %gt3A_117 = arith.cmpi sgt, %scan3A_84#0, %gt3A : vector<16xi32>
          %select_n3A_118 = arith.select %gt3A_117, %scan3A_84#0, %add3A_5 : vector<16xi1>, vector<16xi32>
          %min3A_119 = arith.minsi %select_n3A_118, %scan3A_84#1 : vector<16xi32>
          %swap3A_120 = arith.constant 0 : index
          %swap3A_121 = tpu.vector_load %arg11[%swap3A_120] {strides = array<i32>} : memref<32xi32, #tpu.memory_space<vmem>>, vector<16xi32>,
          %swap3A_122 = vector.shape_cast %swap3A_121 : vector<16xi32> to vector<16xi32>
          %swap3A_123 = vector.shape_cast %min3A_119 : vector<16xi32> to vector<16xi32>
          tpu.vector_store %arg11[%swap3A_120], %swap3A_123 {strides = array<i32>} : memref<32xi32, #tpu.memory_space<vmem>>, vector<16xi32>,
          %get3A_124 = arith.constant 8 : index
          %get3A_125 = tpu.vector_load %arg11[%get3A_124] {strides = array<i32>} : memref<32xi32, #tpu.memory_space<vmem>>, vector<16xi32>,
          %get3A_126 = vector.shape_cast %get3A_125 : vector<16xi32> to vector<16xi32>
          %min3A_127 = arith.minsi %min3A_119, %get3A_126 : vector<16xi32>
          %swap3A_128 = arith.constant 0 : index
          %swap3A_129 = tpu.vector_load %arg11[%swap3A_128] {strides = array<i32>} : memref<32xi32, #tpu.memory_space<vmem>>, vector<16xi32>,
          %swap3A_130 = vector.shape_cast %swap3A_129 : vector<16xi32> to vector<16xi32>
          %swap3A_131 = vector.shape_cast %min3A_127 : vector<16xi32> to vector<16xi32>
          tpu.vector_store %arg11[%swap3A_128], %swap3A_131 {strides = array<i32>} : memref<32xi32, #tpu.memory_space<vmem>>, vector<16xi32>,
          %get3A_132 = arith.constant 4 : index
          %get3A_133 = tpu.vector_load %arg11[%get3A_132] {strides = array<i32>} : memref<32xi32, #tpu.memory_space<vmem>>, vector<16xi32>,
          %get3A_134 = vector.shape_cast %get3A_133 : vector<16xi32> to vector<16xi32>
          %min3A_135 = arith.minsi %min3A_127, %get3A_134 : vector<16xi32>
          %swap3A_136 = arith.constant 0 : index
          %swap3A_137 = tpu.vector_load %arg11[%swap3A_136] {strides = array<i32>} : memref<32xi32, #tpu.memory_space<vmem>>, vector<16xi32>,
          %swap3A_138 = vector.shape_cast %swap3A_137 : vector<16xi32> to vector<16xi32>
          %swap3A_139 = vector.shape_cast %min3A_135 : vector<16xi32> to vector<16xi32>
          tpu.vector_store %arg11[%swap3A_136], %swap3A_139 {strides = array<i32>} : memref<32xi32, #tpu.memory_space<vmem>>, vector<16xi32>,
          %get3A_140 = arith.constant 2 : index
          %get3A_141 = tpu.vector_load %arg11[%get3A_140] {strides = array<i32>} : memref<32xi32, #tpu.memory_space<vmem>>, vector<16xi32>,
          %get3A_142 = vector.shape_cast %get3A_141 : vector<16xi32> to vector<16xi32>
          %min3A_143 = arith.minsi %min3A_135, %get3A_142 : vector<16xi32>
          %swap3A_144 = arith.constant 0 : index
          %swap3A_145 = tpu.vector_load %arg11[%swap3A_144] {strides = array<i32>} : memref<32xi32, #tpu.memory_space<vmem>>, vector<16xi32>,
          %swap3A_146 = vector.shape_cast %swap3A_145 : vector<16xi32> to vector<16xi32>
          %swap3A_147 = vector.shape_cast %min3A_143 : vector<16xi32> to vector<16xi32>
          tpu.vector_store %arg11[%swap3A_144], %swap3A_147 {strides = array<i32>} : memref<32xi32, #tpu.memory_space<vmem>>, vector<16xi32>,
          %get3A_148 = arith.constant 1 : index
          %get3A_149 = tpu.vector_load %arg11[%get3A_148] {strides = array<i32>} : memref<32xi32, #tpu.memory_space<vmem>>, vector<16xi32>,
          %get3A_150 = vector.shape_cast %get3A_149 : vector<16xi32> to vector<16xi32>
          %min3A_151 = arith.minsi %min3A_143, %get3A_150 : vector<16xi32>
          %slice3A_152 = vector.extract_strided_slice %min3A_151 {offsets = [0], sizes = [1], strides = [1]} : vector<16xi32> to vector<1xi32>
          %squeeze3A_153 = vector.extract %slice3A_152[0] : i32 from vector<1xi32>
          %gt3A_154 = vector.broadcast %squeeze3A_153 : i32 to vector<16xi32>
          %gt3A_155 = arith.cmpi sgt, %scan3A_84#0, %gt3A_154 : vector<16xi32>
          %select_n3A_156 = arith.select %gt3A_155, %scan3A_84#0, %add3A_5 : vector<16xi1>, vector<16xi32>
          %gt3A_157 = vector.broadcast %squeeze3A_153 : i32 to vector<16xi32>
          %gt3A_158 = arith.cmpi sgt, %scan3A_84#1, %gt3A_157 : vector<16xi32>
          %select_n3A_159 = arith.select %gt3A_158, %scan3A_84#1, %add3A_5 : vector<16xi1>, vector<16xi32>
          %min3A_160 = arith.minsi %select_n3A_156, %select_n3A_159 : vector<16xi32>
          %min3A_161 = arith.minsi %min3A_160, %scan3A_84#2 : vector<16xi32>
          %swap3A_162 = arith.constant 0 : index
          %swap3A_163 = tpu.vector_load %arg11[%swap3A_162] {strides = array<i32>} : memref<32xi32, #tpu.memory_space<vmem>>, vector<16xi32>,
          %swap3A_164 = vector.shape_cast %swap3A_163 : vector<16xi32> to vector<16xi32>
          %swap3A_165 = vector.shape_cast %min3A_161 : vector<16xi32> to vector<16xi32>
          tpu.vector_store %arg11[%swap3A_162], %swap3A_165 {strides = array<i32>} : memref<32xi32, #tpu.memory_space<vmem>>, vector<16xi32>,
          %get3A_166 = arith.constant 8 : index
          %get3A_167 = tpu.vector_load %arg11[%get3A_166] {strides = array<i32>} : memref<32xi32, #tpu.memory_space<vmem>>, vector<16xi32>,
          %get3A_168 = vector.shape_cast %get3A_167 : vector<16xi32> to vector<16xi32>
          %min3A_169 = arith.minsi %min3A_161, %get3A_168 : vector<16xi32>
          %swap3A_170 = arith.constant 0 : index
          %swap3A_171 = tpu.vector_load %arg11[%swap3A_170] {strides = array<i32>} : memref<32xi32, #tpu.memory_space<vmem>>, vector<16xi32>,
          %swap3A_172 = vector.shape_cast %swap3A_171 : vector<16xi32> to vector<16xi32>
          %swap3A_173 = vector.shape_cast %min3A_169 : vector<16xi32> to vector<16xi32>
          tpu.vector_store %arg11[%swap3A_170], %swap3A_173 {strides = array<i32>} : memref<32xi32, #tpu.memory_space<vmem>>, vector<16xi32>,
          %get3A_174 = arith.constant 4 : index
          %get3A_175 = tpu.vector_load %arg11[%get3A_174] {strides = array<i32>} : memref<32xi32, #tpu.memory_space<vmem>>, vector<16xi32>,
          %get3A_176 = vector.shape_cast %get3A_175 : vector<16xi32> to vector<16xi32>
          %min3A_177 = arith.minsi %min3A_169, %get3A_176 : vector<16xi32>
          %swap3A_178 = arith.constant 0 : index
          %swap3A_179 = tpu.vector_load %arg11[%swap3A_178] {strides = array<i32>} : memref<32xi32, #tpu.memory_space<vmem>>, vector<16xi32>,
          %swap3A_180 = vector.shape_cast %swap3A_179 : vector<16xi32> to vector<16xi32>
          %swap3A_181 = vector.shape_cast %min3A_177 : vector<16xi32> to vector<16xi32>
          tpu.vector_store %arg11[%swap3A_178], %swap3A_181 {strides = array<i32>} : memref<32xi32, #tpu.memory_space<vmem>>, vector<16xi32>,
          %get3A_182 = arith.constant 2 : index
          %get3A_183 = tpu.vector_load %arg11[%get3A_182] {strides = array<i32>} : memref<32xi32, #tpu.memory_space<vmem>>, vector<16xi32>,
          %get3A_184 = vector.shape_cast %get3A_183 : vector<16xi32> to vector<16xi32>
          %min3A_185 = arith.minsi %min3A_177, %get3A_184 : vector<16xi32>
          %swap3A_186 = arith.constant 0 : index
          %swap3A_187 = tpu.vector_load %arg11[%swap3A_186] {strides = array<i32>} : memref<32xi32, #tpu.memory_space<vmem>>, vector<16xi32>,
          %swap3A_188 = vector.shape_cast %swap3A_187 : vector<16xi32> to vector<16xi32>
          %swap3A_189 = vector.shape_cast %min3A_185 : vector<16xi32> to vector<16xi32>
          tpu.vector_store %arg11[%swap3A_186], %swap3A_189 {strides = array<i32>} : memref<32xi32, #tpu.memory_space<vmem>>, vector<16xi32>,
          %get3A_190 = arith.constant 1 : index
          %get3A_191 = tpu.vector_load %arg11[%get3A_190] {strides = array<i32>} : memref<32xi32, #tpu.memory_space<vmem>>, vector<16xi32>,
          %get3A_192 = vector.shape_cast %get3A_191 : vector<16xi32> to vector<16xi32>
          %min3A_193 = arith.minsi %min3A_185, %get3A_192 : vector<16xi32>
          %slice3A_194 = vector.extract_strided_slice %min3A_193 {offsets = [0], sizes = [1], strides = [1]} : vector<16xi32> to vector<1xi32>
          %squeeze3A_195 = vector.extract %slice3A_194[0] : i32 from vector<1xi32>
          %get3A_196 = arith.constant 0 : i32
          %get3A_197 = arith.index_cast %get3A_196 : i32 to index
          %get3A_198 = memref.load %arg13[%get3A_197] : memref<8xi32, #tpu.memory_space<smem>>
          %eq3A_199 = arith.constant 0 : i32
          %eq3A_200 = arith.cmpi eq, %get3A_198, %eq3A_199 : i32
          %eq3A_201 = arith.constant 1 : i32
          %eq3A_202 = arith.cmpi eq, %get3A_198, %eq3A_201 : i32
          %get3A_203 = arith.constant 1 : i32
          %get3A_204 = arith.index_cast %get3A_203 : i32 to index
          %get3A_205 = memref.load %arg13[%get3A_204] : memref<8xi32, #tpu.memory_space<smem>>
          %eq3A_206 = arith.constant 2 : i32
          %eq3A_207 = arith.cmpi eq, %get3A_198, %eq3A_206 : i32
          %get3A_208 = arith.constant 2 : i32
          %get3A_209 = arith.index_cast %get3A_208 : i32 to index
          %get3A_210 = memref.load %arg13[%get3A_209] : memref<8xi32, #tpu.memory_space<smem>>
          %get3A_211 = arith.constant 3 : i32
          %get3A_212 = arith.index_cast %get3A_211 : i32 to index
          %get3A_213 = memref.load %arg13[%get3A_212] : memref<8xi32, #tpu.memory_space<smem>>
          %select_n3A_214 = arith.select %eq3A_207, %get3A_210, %get3A_213 : i32
          %select_n3A_215 = arith.select %eq3A_202, %get3A_205, %select_n3A_214 : i32
          %jit3A_216 = arith.constant -1 : i32
          %select_n3A_217 = arith.select %eq3A_200, %jit3A_216, %select_n3A_215 : i32
          %lt3A_218 = arith.constant 1073741824 : i32
          %lt3A_219 = arith.cmpi slt, %squeeze3A, %lt3A_218 : i32
          %gt3A_220 = arith.cmpi sgt, %squeeze3A, %select_n3A_217 : i32
          %and3A_221 = arith.andi %lt3A_219, %gt3A_220 : i1
          %eq3A_222 = arith.constant 0 : i32
          %eq3A_223 = arith.cmpi eq, %get3A_198, %eq3A_222 : i32
          %and3A_224 = arith.andi %and3A_221, %eq3A_223 : i1
          %get3A_225 = arith.constant 1 : i32
          %get3A_226 = arith.index_cast %get3A_225 : i32 to index
          %get3A_227 = memref.load %arg13[%get3A_226] : memref<8xi32, #tpu.memory_space<smem>>
          %select_n3A_228 = arith.select %and3A_224, %squeeze3A, %get3A_227 : i32
          %swap3A_229 = arith.constant 1 : i32
          %swap3A_230 = arith.index_cast %swap3A_229 : i32 to index
          %swap3A_231 = memref.load %arg13[%swap3A_230] : memref<8xi32, #tpu.memory_space<smem>>
          memref.store %select_n3A_228, %arg13[%swap3A_230] : memref<8xi32, #tpu.memory_space<smem>>
          %eq3A_232 = arith.constant 1 : i32
          %eq3A_233 = arith.cmpi eq, %get3A_198, %eq3A_232 : i32
          %and3A_234 = arith.andi %and3A_221, %eq3A_233 : i1
          %get3A_235 = arith.constant 2 : i32
          %get3A_236 = arith.index_cast %get3A_235 : i32 to index
          %get3A_237 = memref.load %arg13[%get3A_236] : memref<8xi32, #tpu.memory_space<smem>>
          %select_n3A_238 = arith.select %and3A_234, %squeeze3A, %get3A_237 : i32
          %swap3A_239 = arith.constant 2 : i32
          %swap3A_240 = arith.index_cast %swap3A_239 : i32 to index
          %swap3A_241 = memref.load %arg13[%swap3A_240] : memref<8xi32, #tpu.memory_space<smem>>
          memref.store %select_n3A_238, %arg13[%swap3A_240] : memref<8xi32, #tpu.memory_space<smem>>
          %eq3A_242 = arith.constant 2 : i32
          %eq3A_243 = arith.cmpi eq, %get3A_198, %eq3A_242 : i32
          %and3A_244 = arith.andi %and3A_221, %eq3A_243 : i1
          %get3A_245 = arith.constant 3 : i32
          %get3A_246 = arith.index_cast %get3A_245 : i32 to index
          %get3A_247 = memref.load %arg13[%get3A_246] : memref<8xi32, #tpu.memory_space<smem>>
          %select_n3A_248 = arith.select %and3A_244, %squeeze3A, %get3A_247 : i32
          %swap3A_249 = arith.constant 3 : i32
          %swap3A_250 = arith.index_cast %swap3A_249 : i32 to index
          %swap3A_251 = memref.load %arg13[%swap3A_250] : memref<8xi32, #tpu.memory_space<smem>>
          memref.store %select_n3A_248, %arg13[%swap3A_250] : memref<8xi32, #tpu.memory_space<smem>>
          %lt3A_252 = arith.constant 3 : i32
          %lt3A_253 = arith.cmpi slt, %get3A_198, %lt3A_252 : i32
          %and3A_254 = arith.andi %and3A_221, %lt3A_253 : i1
          %convert_element_type3A_255 = arith.extui %and3A_254 : i1 to i32
          %add3A_256 = arith.addi %get3A_198, %convert_element_type3A_255 : i32
          %select_n3A_257 = arith.select %and3A_254, %squeeze3A, %select_n3A_217 : i32
          %lt3A_258 = arith.constant 1073741824 : i32
          %lt3A_259 = arith.cmpi slt, %squeeze3A_153, %lt3A_258 : i32
          %gt3A_260 = arith.cmpi sgt, %squeeze3A_153, %select_n3A_257 : i32
          %and3A_261 = arith.andi %lt3A_259, %gt3A_260 : i1
          %eq3A_262 = arith.constant 0 : i32
          %eq3A_263 = arith.cmpi eq, %add3A_256, %eq3A_262 : i32
          %and3A_264 = arith.andi %and3A_261, %eq3A_263 : i1
          %get3A_265 = arith.constant 1 : i32
          %get3A_266 = arith.index_cast %get3A_265 : i32 to index
          %get3A_267 = memref.load %arg13[%get3A_266] : memref<8xi32, #tpu.memory_space<smem>>
          %select_n3A_268 = arith.select %and3A_264, %squeeze3A_153, %get3A_267 : i32
          %swap3A_269 = arith.constant 1 : i32
          %swap3A_270 = arith.index_cast %swap3A_269 : i32 to index
          %swap3A_271 = memref.load %arg13[%swap3A_270] : memref<8xi32, #tpu.memory_space<smem>>
          memref.store %select_n3A_268, %arg13[%swap3A_270] : memref<8xi32, #tpu.memory_space<smem>>
          %eq3A_272 = arith.constant 1 : i32
          %eq3A_273 = arith.cmpi eq, %add3A_256, %eq3A_272 : i32
          %and3A_274 = arith.andi %and3A_261, %eq3A_273 : i1
          %get3A_275 = arith.constant 2 : i32
          %get3A_276 = arith.index_cast %get3A_275 : i32 to index
          %get3A_277 = memref.load %arg13[%get3A_276] : memref<8xi32, #tpu.memory_space<smem>>
          %select_n3A_278 = arith.select %and3A_274, %squeeze3A_153, %get3A_277 : i32
          %swap3A_279 = arith.constant 2 : i32
          %swap3A_280 = arith.index_cast %swap3A_279 : i32 to index
          %swap3A_281 = memref.load %arg13[%swap3A_280] : memref<8xi32, #tpu.memory_space<smem>>
          memref.store %select_n3A_278, %arg13[%swap3A_280] : memref<8xi32, #tpu.memory_space<smem>>
          %eq3A_282 = arith.constant 2 : i32
          %eq3A_283 = arith.cmpi eq, %add3A_256, %eq3A_282 : i32
          %and3A_284 = arith.andi %and3A_261, %eq3A_283 : i1
          %get3A_285 = arith.constant 3 : i32
          %get3A_286 = arith.index_cast %get3A_285 : i32 to index
          %get3A_287 = memref.load %arg13[%get3A_286] : memref<8xi32, #tpu.memory_space<smem>>
          %select_n3A_288 = arith.select %and3A_284, %squeeze3A_153, %get3A_287 : i32
          %swap3A_289 = arith.constant 3 : i32
          %swap3A_290 = arith.index_cast %swap3A_289 : i32 to index
          %swap3A_291 = memref.load %arg13[%swap3A_290] : memref<8xi32, #tpu.memory_space<smem>>
          memref.store %select_n3A_288, %arg13[%swap3A_290] : memref<8xi32, #tpu.memory_space<smem>>
          %lt3A_292 = arith.constant 3 : i32
          %lt3A_293 = arith.cmpi slt, %add3A_256, %lt3A_292 : i32
          %and3A_294 = arith.andi %and3A_261, %lt3A_293 : i1
          %convert_element_type3A_295 = arith.extui %and3A_294 : i1 to i32
          %add3A_296 = arith.addi %add3A_256, %convert_element_type3A_295 : i32
          %select_n3A_297 = arith.select %and3A_294, %squeeze3A_153, %select_n3A_257 : i32
          %lt3A_298 = arith.constant 1073741824 : i32
          %lt3A_299 = arith.cmpi slt, %squeeze3A_195, %lt3A_298 : i32
          %gt3A_300 = arith.cmpi sgt, %squeeze3A_195, %select_n3A_297 : i32
          %and3A_301 = arith.andi %lt3A_299, %gt3A_300 : i1
          %eq3A_302 = arith.constant 0 : i32
          %eq3A_303 = arith.cmpi eq, %add3A_296, %eq3A_302 : i32
          %and3A_304 = arith.andi %and3A_301, %eq3A_303 : i1
          %get3A_305 = arith.constant 1 : i32
          %get3A_306 = arith.index_cast %get3A_305 : i32 to index
          %get3A_307 = memref.load %arg13[%get3A_306] : memref<8xi32, #tpu.memory_space<smem>>
          %select_n3A_308 = arith.select %and3A_304, %squeeze3A_195, %get3A_307 : i32
          %swap3A_309 = arith.constant 1 : i32
          %swap3A_310 = arith.index_cast %swap3A_309 : i32 to index
          %swap3A_311 = memref.load %arg13[%swap3A_310] : memref<8xi32, #tpu.memory_space<smem>>
          memref.store %select_n3A_308, %arg13[%swap3A_310] : memref<8xi32, #tpu.memory_space<smem>>
          %eq3A_312 = arith.constant 1 : i32
          %eq3A_313 = arith.cmpi eq, %add3A_296, %eq3A_312 : i32
          %and3A_314 = arith.andi %and3A_301, %eq3A_313 : i1
          %get3A_315 = arith.constant 2 : i32
          %get3A_316 = arith.index_cast %get3A_315 : i32 to index
          %get3A_317 = memref.load %arg13[%get3A_316] : memref<8xi32, #tpu.memory_space<smem>>
          %select_n3A_318 = arith.select %and3A_314, %squeeze3A_195, %get3A_317 : i32
          %swap3A_319 = arith.constant 2 : i32
          %swap3A_320 = arith.index_cast %swap3A_319 : i32 to index
          %swap3A_321 = memref.load %arg13[%swap3A_320] : memref<8xi32, #tpu.memory_space<smem>>
          memref.store %select_n3A_318, %arg13[%swap3A_320] : memref<8xi32, #tpu.memory_space<smem>>
          %eq3A_322 = arith.constant 2 : i32
          %eq3A_323 = arith.cmpi eq, %add3A_296, %eq3A_322 : i32
          %and3A_324 = arith.andi %and3A_301, %eq3A_323 : i1
          %get3A_325 = arith.constant 3 : i32
          %get3A_326 = arith.index_cast %get3A_325 : i32 to index
          %get3A_327 = memref.load %arg13[%get3A_326] : memref<8xi32, #tpu.memory_space<smem>>
          %select_n3A_328 = arith.select %and3A_324, %squeeze3A_195, %get3A_327 : i32
          %swap3A_329 = arith.constant 3 : i32
          %swap3A_330 = arith.index_cast %swap3A_329 : i32 to index
          %swap3A_331 = memref.load %arg13[%swap3A_330] : memref<8xi32, #tpu.memory_space<smem>>
          memref.store %select_n3A_328, %arg13[%swap3A_330] : memref<8xi32, #tpu.memory_space<smem>>
          %lt3A_332 = arith.constant 3 : i32
          %lt3A_333 = arith.cmpi slt, %add3A_296, %lt3A_332 : i32
          %and3A_334 = arith.andi %and3A_301, %lt3A_333 : i1
          %convert_element_type3A_335 = arith.extui %and3A_334 : i1 to i32
          %add3A_336 = arith.addi %add3A_296, %convert_element_type3A_335 : i32
          %select_n3A_337 = arith.select %and3A_334, %squeeze3A_195, %select_n3A_297 : i32
          %swap3A_338 = arith.constant 0 : i32
          %swap3A_339 = arith.index_cast %swap3A_338 : i32 to index
          %swap3A_340 = memref.load %arg13[%swap3A_339] : memref<8xi32, #tpu.memory_space<smem>>
          memref.store %add3A_336, %arg13[%swap3A_339] : memref<8xi32, #tpu.memory_space<smem>>
        } else {
        }
      }
      %scan3A_61 = arith.constant 256 : i32
    } else {
    }
    %convert_element_type3A_54 = arith.extui %and3A : i1 to i32
    %cond3A_55 = arith.constant 0 : i32
    %cond3A_56 = arith.cmpi ne, %convert_element_type3A_54, %cond3A_55 : i32
    scf.if %cond3A_56 {
      %get3A_57 = arith.constant 1 : i32
      %get3A_58 = arith.index_cast %get3A_57 : i32 to index
      %get3A_59 = memref.load %arg13[%get3A_58] : memref<8xi32, #tpu.memory_space<smem>>
      %get3A_60 = arith.constant 2 : i32
      %get3A_61 = arith.index_cast %get3A_60 : i32 to index
      %get3A_62 = memref.load %arg13[%get3A_61] : memref<8xi32, #tpu.memory_space<smem>>
      %get3A_63 = arith.constant 3 : i32
      %get3A_64 = arith.index_cast %get3A_63 : i32 to index
      %get3A_65 = memref.load %arg13[%get3A_64] : memref<8xi32, #tpu.memory_space<smem>>
      %shift_right_arithmetic3A = arith.constant 19 : i32
      %shift_right_arithmetic3A_66 = arith.shrsi %get3A_59, %shift_right_arithmetic3A : i32
      %shift_right_arithmetic3A_67 = arith.constant 10 : i32
      %shift_right_arithmetic3A_68 = arith.shrsi %get3A_59, %shift_right_arithmetic3A_67 : i32
      %and3A_69 = arith.constant 511 : i32
      %and3A_70 = arith.andi %shift_right_arithmetic3A_68, %and3A_69 : i32
      %and3A_71 = arith.constant 1023 : i32
      %and3A_72 = arith.andi %get3A_59, %and3A_71 : i32
      %shift_right_arithmetic3A_73 = arith.constant 19 : i32
      %shift_right_arithmetic3A_74 = arith.shrsi %get3A_62, %shift_right_arithmetic3A_73 : i32
      %shift_right_arithmetic3A_75 = arith.constant 10 : i32
      %shift_right_arithmetic3A_76 = arith.shrsi %get3A_62, %shift_right_arithmetic3A_75 : i32
      %and3A_77 = arith.constant 511 : i32
      %and3A_78 = arith.andi %shift_right_arithmetic3A_76, %and3A_77 : i32
      %and3A_79 = arith.constant 1023 : i32
      %and3A_80 = arith.andi %get3A_62, %and3A_79 : i32
      %shift_right_arithmetic3A_81 = arith.constant 19 : i32
      %shift_right_arithmetic3A_82 = arith.shrsi %get3A_65, %shift_right_arithmetic3A_81 : i32
      %shift_right_arithmetic3A_83 = arith.constant 10 : i32
      %shift_right_arithmetic3A_84 = arith.shrsi %get3A_65, %shift_right_arithmetic3A_83 : i32
      %and3A_85 = arith.constant 511 : i32
      %and3A_86 = arith.andi %shift_right_arithmetic3A_84, %and3A_85 : i32
      %and3A_87 = arith.constant 1023 : i32
      %and3A_88 = arith.andi %get3A_65, %and3A_87 : i32
      %min3A = arith.constant 15 : i32
      %min3A_89 = arith.minsi %and3A_70, %min3A : i32
      %min3A_90 = arith.constant 15 : i32
      %min3A_91 = arith.minsi %and3A_72, %min3A_90 : i32
      %min3A_92 = arith.constant 511 : i32
      %min3A_93 = arith.minsi %and3A_80, %min3A_92 : i32
      %shift_right_arithmetic3A_94 = arith.constant 4 : i32
      %shift_right_arithmetic3A_95 = arith.shrsi %shift_right_arithmetic3A_82, %shift_right_arithmetic3A_94 : i32
      %shift_left3A = arith.constant 4 : i32
      %shift_left3A_96 = arith.shli %shift_right_arithmetic3A_95, %shift_left3A : i32
      %multiple_of3A = tpu.assume_multiple %shift_left3A_96, 16 : i32
      %sub3A = arith.subi %shift_right_arithmetic3A_82, %multiple_of3A : i32
      %dma_start3A_97 = arith.constant 0 : i32
      %dma_start3A_98 = tpu.memref_slice %arg9[%dma_start3A_97] : memref<96xf32, #tpu.memory_space<vmem>> -> memref<16xf32, #tpu.memory_space<vmem>>
      %dma_start3A_99 = tpu.memref_slice %arg2[%shift_right_arithmetic3A_66, %shift_right_arithmetic3A_74, %multiple_of3A] : memref<16x512x1024xf32, #tpu.memory_space<hbm>> -> memref<1x1x16xf32, #tpu.memory_space<hbm>>
      %dma_start3A_100 = tpu.memref_squeeze %dma_start3A_99 : memref<1x1x16xf32, #tpu.memory_space<hbm>> -> memref<16xf32, #tpu.memory_space<hbm>>
      %dma_start3A_101 = arith.constant 0 : i32
      %dma_start3A_102 = tpu.memref_slice %arg9[%dma_start3A_101] : memref<96xf32, #tpu.memory_space<vmem>> -> memref<16xf32, #tpu.memory_space<vmem>>
      %dma_start3A_103 = tpu.memref_slice %arg2[%shift_right_arithmetic3A_66, %shift_right_arithmetic3A_74, %multiple_of3A] : memref<16x512x1024xf32, #tpu.memory_space<hbm>> -> memref<1x1x16xf32, #tpu.memory_space<hbm>>
      %dma_start3A_104 = tpu.memref_squeeze %dma_start3A_103 : memref<1x1x16xf32, #tpu.memory_space<hbm>> -> memref<16xf32, #tpu.memory_space<hbm>>
      tpu.enqueue_dma source(%dma_start3A_104 : memref<16xf32, #tpu.memory_space<hbm>>) target(%dma_start3A_102 : memref<16xf32, #tpu.memory_space<vmem>>) target_semaphore(%arg14 : memref<!tpu.dma_semaphore, #tpu.memory_space<semaphore_mem>>)
      %shift_right_arithmetic3A_105 = arith.constant 4 : i32
      %shift_right_arithmetic3A_106 = arith.shrsi %shift_right_arithmetic3A_82, %shift_right_arithmetic3A_105 : i32
      %shift_left3A_107 = arith.constant 4 : i32
      %shift_left3A_108 = arith.shli %shift_right_arithmetic3A_106, %shift_left3A_107 : i32
      %multiple_of3A_109 = tpu.assume_multiple %shift_left3A_108, 16 : i32
      %sub3A_110 = arith.subi %shift_right_arithmetic3A_82, %multiple_of3A_109 : i32
      %dma_start3A_111 = arith.constant 0 : i32
      %dma_start3A_112 = arith.constant 16 : i32
      %dma_start3A_113 = tpu.memref_slice %arg9[%dma_start3A_112] : memref<96xf32, #tpu.memory_space<vmem>> -> memref<16xf32, #tpu.memory_space<vmem>>
      %dma_start3A_114 = tpu.memref_slice %arg3[%shift_right_arithmetic3A_66, %dma_start3A_111, %shift_right_arithmetic3A_74, %multiple_of3A_109] : memref<16x1x512x1024xf32, #tpu.memory_space<hbm>> -> memref<1x1x1x16xf32, #tpu.memory_space<hbm>>
      %dma_start3A_115 = tpu.memref_squeeze %dma_start3A_114 : memref<1x1x1x16xf32, #tpu.memory_space<hbm>> -> memref<16xf32, #tpu.memory_space<hbm>>
      %dma_start3A_116 = arith.constant 16 : i32
      %dma_start3A_117 = tpu.memref_slice %arg9[%dma_start3A_116] : memref<96xf32, #tpu.memory_space<vmem>> -> memref<16xf32, #tpu.memory_space<vmem>>
      %dma_start3A_118 = tpu.memref_slice %arg3[%shift_right_arithmetic3A_66, %dma_start3A_111, %shift_right_arithmetic3A_74, %multiple_of3A_109] : memref<16x1x512x1024xf32, #tpu.memory_space<hbm>> -> memref<1x1x1x16xf32, #tpu.memory_space<hbm>>
      %dma_start3A_119 = tpu.memref_squeeze %dma_start3A_118 : memref<1x1x1x16xf32, #tpu.memory_space<hbm>> -> memref<16xf32, #tpu.memory_space<hbm>>
      tpu.enqueue_dma source(%dma_start3A_119 : memref<16xf32, #tpu.memory_space<hbm>>) target(%dma_start3A_117 : memref<16xf32, #tpu.memory_space<vmem>>) target_semaphore(%arg14 : memref<!tpu.dma_semaphore, #tpu.memory_space<semaphore_mem>>)
      %shift_right_arithmetic3A_120 = arith.constant 4 : i32
      %shift_right_arithmetic3A_121 = arith.shrsi %and3A_86, %shift_right_arithmetic3A_120 : i32
      %shift_left3A_122 = arith.constant 4 : i32
      %shift_left3A_123 = arith.shli %shift_right_arithmetic3A_121, %shift_left3A_122 : i32
      %multiple_of3A_124 = tpu.assume_multiple %shift_left3A_123, 16 : i32
      %sub3A_125 = arith.subi %and3A_86, %multiple_of3A_124 : i32
      %dma_start3A_126 = arith.constant 32 : i32
      %dma_start3A_127 = tpu.memref_slice %arg9[%dma_start3A_126] : memref<96xf32, #tpu.memory_space<vmem>> -> memref<16xf32, #tpu.memory_space<vmem>>
      %dma_start3A_128 = tpu.memref_slice %arg2[%min3A_89, %and3A_78, %multiple_of3A_124] : memref<16x512x1024xf32, #tpu.memory_space<hbm>> -> memref<1x1x16xf32, #tpu.memory_space<hbm>>
      %dma_start3A_129 = tpu.memref_squeeze %dma_start3A_128 : memref<1x1x16xf32, #tpu.memory_space<hbm>> -> memref<16xf32, #tpu.memory_space<hbm>>
      %dma_start3A_130 = arith.constant 32 : i32
      %dma_start3A_131 = tpu.memref_slice %arg9[%dma_start3A_130] : memref<96xf32, #tpu.memory_space<vmem>> -> memref<16xf32, #tpu.memory_space<vmem>>
      %dma_start3A_132 = tpu.memref_slice %arg2[%min3A_89, %and3A_78, %multiple_of3A_124] : memref<16x512x1024xf32, #tpu.memory_space<hbm>> -> memref<1x1x16xf32, #tpu.memory_space<hbm>>
      %dma_start3A_133 = tpu.memref_squeeze %dma_start3A_132 : memref<1x1x16xf32, #tpu.memory_space<hbm>> -> memref<16xf32, #tpu.memory_space<hbm>>
      tpu.enqueue_dma source(%dma_start3A_133 : memref<16xf32, #tpu.memory_space<hbm>>) target(%dma_start3A_131 : memref<16xf32, #tpu.memory_space<vmem>>) target_semaphore(%arg14 : memref<!tpu.dma_semaphore, #tpu.memory_space<semaphore_mem>>)
      %shift_right_arithmetic3A_134 = arith.constant 4 : i32
      %shift_right_arithmetic3A_135 = arith.shrsi %and3A_86, %shift_right_arithmetic3A_134 : i32
      %shift_left3A_136 = arith.constant 4 : i32
      %shift_left3A_137 = arith.shli %shift_right_arithmetic3A_135, %shift_left3A_136 : i32
      %multiple_of3A_138 = tpu.assume_multiple %shift_left3A_137, 16 : i32
      %sub3A_139 = arith.subi %and3A_86, %multiple_of3A_138 : i32
      %dma_start3A_140 = arith.constant 0 : i32
      %dma_start3A_141 = arith.constant 48 : i32
      %dma_start3A_142 = tpu.memref_slice %arg9[%dma_start3A_141] : memref<96xf32, #tpu.memory_space<vmem>> -> memref<16xf32, #tpu.memory_space<vmem>>
      %dma_start3A_143 = tpu.memref_slice %arg3[%min3A_89, %dma_start3A_140, %and3A_78, %multiple_of3A_138] : memref<16x1x512x1024xf32, #tpu.memory_space<hbm>> -> memref<1x1x1x16xf32, #tpu.memory_space<hbm>>
      %dma_start3A_144 = tpu.memref_squeeze %dma_start3A_143 : memref<1x1x1x16xf32, #tpu.memory_space<hbm>> -> memref<16xf32, #tpu.memory_space<hbm>>
      %dma_start3A_145 = arith.constant 48 : i32
      %dma_start3A_146 = tpu.memref_slice %arg9[%dma_start3A_145] : memref<96xf32, #tpu.memory_space<vmem>> -> memref<16xf32, #tpu.memory_space<vmem>>
      %dma_start3A_147 = tpu.memref_slice %arg3[%min3A_89, %dma_start3A_140, %and3A_78, %multiple_of3A_138] : memref<16x1x512x1024xf32, #tpu.memory_space<hbm>> -> memref<1x1x1x16xf32, #tpu.memory_space<hbm>>
      %dma_start3A_148 = tpu.memref_squeeze %dma_start3A_147 : memref<1x1x1x16xf32, #tpu.memory_space<hbm>> -> memref<16xf32, #tpu.memory_space<hbm>>
      tpu.enqueue_dma source(%dma_start3A_148 : memref<16xf32, #tpu.memory_space<hbm>>) target(%dma_start3A_146 : memref<16xf32, #tpu.memory_space<vmem>>) target_semaphore(%arg14 : memref<!tpu.dma_semaphore, #tpu.memory_space<semaphore_mem>>)
      %shift_right_arithmetic3A_149 = arith.constant 4 : i32
      %shift_right_arithmetic3A_150 = arith.shrsi %and3A_88, %shift_right_arithmetic3A_149 : i32
      %shift_left3A_151 = arith.constant 4 : i32
      %shift_left3A_152 = arith.shli %shift_right_arithmetic3A_150, %shift_left3A_151 : i32
      %multiple_of3A_153 = tpu.assume_multiple %shift_left3A_152, 16 : i32
      %sub3A_154 = arith.subi %and3A_88, %multiple_of3A_153 : i32
      %dma_start3A_155 = arith.constant 64 : i32
      %dma_start3A_156 = tpu.memref_slice %arg9[%dma_start3A_155] : memref<96xf32, #tpu.memory_space<vmem>> -> memref<16xf32, #tpu.memory_space<vmem>>
      %dma_start3A_157 = tpu.memref_slice %arg2[%min3A_91, %min3A_93, %multiple_of3A_153] : memref<16x512x1024xf32, #tpu.memory_space<hbm>> -> memref<1x1x16xf32, #tpu.memory_space<hbm>>
      %dma_start3A_158 = tpu.memref_squeeze %dma_start3A_157 : memref<1x1x16xf32, #tpu.memory_space<hbm>> -> memref<16xf32, #tpu.memory_space<hbm>>
      %dma_start3A_159 = arith.constant 64 : i32
      %dma_start3A_160 = tpu.memref_slice %arg9[%dma_start3A_159] : memref<96xf32, #tpu.memory_space<vmem>> -> memref<16xf32, #tpu.memory_space<vmem>>
      %dma_start3A_161 = tpu.memref_slice %arg2[%min3A_91, %min3A_93, %multiple_of3A_153] : memref<16x512x1024xf32, #tpu.memory_space<hbm>> -> memref<1x1x16xf32, #tpu.memory_space<hbm>>
      %dma_start3A_162 = tpu.memref_squeeze %dma_start3A_161 : memref<1x1x16xf32, #tpu.memory_space<hbm>> -> memref<16xf32, #tpu.memory_space<hbm>>
      tpu.enqueue_dma source(%dma_start3A_162 : memref<16xf32, #tpu.memory_space<hbm>>) target(%dma_start3A_160 : memref<16xf32, #tpu.memory_space<vmem>>) target_semaphore(%arg14 : memref<!tpu.dma_semaphore, #tpu.memory_space<semaphore_mem>>)
      %shift_right_arithmetic3A_163 = arith.constant 4 : i32
      %shift_right_arithmetic3A_164 = arith.shrsi %and3A_88, %shift_right_arithmetic3A_163 : i32
      %shift_left3A_165 = arith.constant 4 : i32
      %shift_left3A_166 = arith.shli %shift_right_arithmetic3A_164, %shift_left3A_165 : i32
      %multiple_of3A_167 = tpu.assume_multiple %shift_left3A_166, 16 : i32
      %sub3A_168 = arith.subi %and3A_88, %multiple_of3A_167 : i32
      %dma_start3A_169 = arith.constant 0 : i32
      %dma_start3A_170 = arith.constant 80 : i32
      %dma_start3A_171 = tpu.memref_slice %arg9[%dma_start3A_170] : memref<96xf32, #tpu.memory_space<vmem>> -> memref<16xf32, #tpu.memory_space<vmem>>
      %dma_start3A_172 = tpu.memref_slice %arg3[%min3A_91, %dma_start3A_169, %min3A_93, %multiple_of3A_167] : memref<16x1x512x1024xf32, #tpu.memory_space<hbm>> -> memref<1x1x1x16xf32, #tpu.memory_space<hbm>>
      %dma_start3A_173 = tpu.memref_squeeze %dma_start3A_172 : memref<1x1x1x16xf32, #tpu.memory_space<hbm>> -> memref<16xf32, #tpu.memory_space<hbm>>
      %dma_start3A_174 = arith.constant 80 : i32
      %dma_start3A_175 = tpu.memref_slice %arg9[%dma_start3A_174] : memref<96xf32, #tpu.memory_space<vmem>> -> memref<16xf32, #tpu.memory_space<vmem>>
      %dma_start3A_176 = tpu.memref_slice %arg3[%min3A_91, %dma_start3A_169, %min3A_93, %multiple_of3A_167] : memref<16x1x512x1024xf32, #tpu.memory_space<hbm>> -> memref<1x1x1x16xf32, #tpu.memory_space<hbm>>
      %dma_start3A_177 = tpu.memref_squeeze %dma_start3A_176 : memref<1x1x1x16xf32, #tpu.memory_space<hbm>> -> memref<16xf32, #tpu.memory_space<hbm>>
      tpu.enqueue_dma source(%dma_start3A_177 : memref<16xf32, #tpu.memory_space<hbm>>) target(%dma_start3A_175 : memref<16xf32, #tpu.memory_space<vmem>>) target_semaphore(%arg14 : memref<!tpu.dma_semaphore, #tpu.memory_space<semaphore_mem>>)
      %dma_wait3A_178 = arith.constant 0 : i32
      %dma_wait3A_179 = tpu.memref_slice %arg9[%dma_wait3A_178] : memref<96xf32, #tpu.memory_space<vmem>> -> memref<16xf32, #tpu.memory_space<vmem>>
      %dma_wait3A_180 = tpu.memref_slice %arg2[%shift_right_arithmetic3A_66, %shift_right_arithmetic3A_74, %multiple_of3A] : memref<16x512x1024xf32, #tpu.memory_space<hbm>> -> memref<1x1x16xf32, #tpu.memory_space<hbm>>
      %dma_wait3A_181 = tpu.memref_squeeze %dma_wait3A_180 : memref<1x1x16xf32, #tpu.memory_space<hbm>> -> memref<16xf32, #tpu.memory_space<hbm>>
      %dma_wait3A_182 = arith.constant 0 : i32
      %dma_wait3A_183 = tpu.memref_slice %arg9[%dma_wait3A_182] : memref<96xf32, #tpu.memory_space<vmem>> -> memref<16xf32, #tpu.memory_space<vmem>>
      %dma_wait3A_184 = tpu.memref_slice %arg2[%shift_right_arithmetic3A_66, %shift_right_arithmetic3A_74, %multiple_of3A] : memref<16x512x1024xf32, #tpu.memory_space<hbm>> -> memref<1x1x16xf32, #tpu.memory_space<hbm>>
      %dma_wait3A_185 = tpu.memref_squeeze %dma_wait3A_184 : memref<1x1x16xf32, #tpu.memory_space<hbm>> -> memref<16xf32, #tpu.memory_space<hbm>>
      tpu.wait_dma2 semaphore(%arg14 : memref<!tpu.dma_semaphore, #tpu.memory_space<semaphore_mem>>) src(%dma_wait3A_185 : memref<16xf32, #tpu.memory_space<hbm>>) dst(%dma_wait3A_183 : memref<16xf32, #tpu.memory_space<vmem>>)
      %dma_wait3A_186 = arith.constant 0 : i32
      %dma_wait3A_187 = arith.constant 16 : i32
      %dma_wait3A_188 = tpu.memref_slice %arg9[%dma_wait3A_187] : memref<96xf32, #tpu.memory_space<vmem>> -> memref<16xf32, #tpu.memory_space<vmem>>
      %dma_wait3A_189 = tpu.memref_slice %arg3[%shift_right_arithmetic3A_66, %dma_wait3A_186, %shift_right_arithmetic3A_74, %multiple_of3A_109] : memref<16x1x512x1024xf32, #tpu.memory_space<hbm>> -> memref<1x1x1x16xf32, #tpu.memory_space<hbm>>
      %dma_wait3A_190 = tpu.memref_squeeze %dma_wait3A_189 : memref<1x1x1x16xf32, #tpu.memory_space<hbm>> -> memref<16xf32, #tpu.memory_space<hbm>>
      %dma_wait3A_191 = arith.constant 16 : i32
      %dma_wait3A_192 = tpu.memref_slice %arg9[%dma_wait3A_191] : memref<96xf32, #tpu.memory_space<vmem>> -> memref<16xf32, #tpu.memory_space<vmem>>
      %dma_wait3A_193 = tpu.memref_slice %arg3[%shift_right_arithmetic3A_66, %dma_wait3A_186, %shift_right_arithmetic3A_74, %multiple_of3A_109] : memref<16x1x512x1024xf32, #tpu.memory_space<hbm>> -> memref<1x1x1x16xf32, #tpu.memory_space<hbm>>
      %dma_wait3A_194 = tpu.memref_squeeze %dma_wait3A_193 : memref<1x1x1x16xf32, #tpu.memory_space<hbm>> -> memref<16xf32, #tpu.memory_space<hbm>>
      tpu.wait_dma2 semaphore(%arg14 : memref<!tpu.dma_semaphore, #tpu.memory_space<semaphore_mem>>) src(%dma_wait3A_194 : memref<16xf32, #tpu.memory_space<hbm>>) dst(%dma_wait3A_192 : memref<16xf32, #tpu.memory_space<vmem>>)
      %dma_wait3A_195 = arith.constant 32 : i32
      %dma_wait3A_196 = tpu.memref_slice %arg9[%dma_wait3A_195] : memref<96xf32, #tpu.memory_space<vmem>> -> memref<16xf32, #tpu.memory_space<vmem>>
      %dma_wait3A_197 = tpu.memref_slice %arg2[%min3A_89, %and3A_78, %multiple_of3A_124] : memref<16x512x1024xf32, #tpu.memory_space<hbm>> -> memref<1x1x16xf32, #tpu.memory_space<hbm>>
      %dma_wait3A_198 = tpu.memref_squeeze %dma_wait3A_197 : memref<1x1x16xf32, #tpu.memory_space<hbm>> -> memref<16xf32, #tpu.memory_space<hbm>>
      %dma_wait3A_199 = arith.constant 32 : i32
      %dma_wait3A_200 = tpu.memref_slice %arg9[%dma_wait3A_199] : memref<96xf32, #tpu.memory_space<vmem>> -> memref<16xf32, #tpu.memory_space<vmem>>
      %dma_wait3A_201 = tpu.memref_slice %arg2[%min3A_89, %and3A_78, %multiple_of3A_124] : memref<16x512x1024xf32, #tpu.memory_space<hbm>> -> memref<1x1x16xf32, #tpu.memory_space<hbm>>
      %dma_wait3A_202 = tpu.memref_squeeze %dma_wait3A_201 : memref<1x1x16xf32, #tpu.memory_space<hbm>> -> memref<16xf32, #tpu.memory_space<hbm>>
      tpu.wait_dma2 semaphore(%arg14 : memref<!tpu.dma_semaphore, #tpu.memory_space<semaphore_mem>>) src(%dma_wait3A_202 : memref<16xf32, #tpu.memory_space<hbm>>) dst(%dma_wait3A_200 : memref<16xf32, #tpu.memory_space<vmem>>)
      %dma_wait3A_203 = arith.constant 0 : i32
      %dma_wait3A_204 = arith.constant 48 : i32
      %dma_wait3A_205 = tpu.memref_slice %arg9[%dma_wait3A_204] : memref<96xf32, #tpu.memory_space<vmem>> -> memref<16xf32, #tpu.memory_space<vmem>>
      %dma_wait3A_206 = tpu.memref_slice %arg3[%min3A_89, %dma_wait3A_203, %and3A_78, %multiple_of3A_138] : memref<16x1x512x1024xf32, #tpu.memory_space<hbm>> -> memref<1x1x1x16xf32, #tpu.memory_space<hbm>>
      %dma_wait3A_207 = tpu.memref_squeeze %dma_wait3A_206 : memref<1x1x1x16xf32, #tpu.memory_space<hbm>> -> memref<16xf32, #tpu.memory_space<hbm>>
      %dma_wait3A_208 = arith.constant 48 : i32
      %dma_wait3A_209 = tpu.memref_slice %arg9[%dma_wait3A_208] : memref<96xf32, #tpu.memory_space<vmem>> -> memref<16xf32, #tpu.memory_space<vmem>>
      %dma_wait3A_210 = tpu.memref_slice %arg3[%min3A_89, %dma_wait3A_203, %and3A_78, %multiple_of3A_138] : memref<16x1x512x1024xf32, #tpu.memory_space<hbm>> -> memref<1x1x1x16xf32, #tpu.memory_space<hbm>>
      %dma_wait3A_211 = tpu.memref_squeeze %dma_wait3A_210 : memref<1x1x1x16xf32, #tpu.memory_space<hbm>> -> memref<16xf32, #tpu.memory_space<hbm>>
      tpu.wait_dma2 semaphore(%arg14 : memref<!tpu.dma_semaphore, #tpu.memory_space<semaphore_mem>>) src(%dma_wait3A_211 : memref<16xf32, #tpu.memory_space<hbm>>) dst(%dma_wait3A_209 : memref<16xf32, #tpu.memory_space<vmem>>)
      %dma_wait3A_212 = arith.constant 64 : i32
      %dma_wait3A_213 = tpu.memref_slice %arg9[%dma_wait3A_212] : memref<96xf32, #tpu.memory_space<vmem>> -> memref<16xf32, #tpu.memory_space<vmem>>
      %dma_wait3A_214 = tpu.memref_slice %arg2[%min3A_91, %min3A_93, %multiple_of3A_153] : memref<16x512x1024xf32, #tpu.memory_space<hbm>> -> memref<1x1x16xf32, #tpu.memory_space<hbm>>
      %dma_wait3A_215 = tpu.memref_squeeze %dma_wait3A_214 : memref<1x1x16xf32, #tpu.memory_space<hbm>> -> memref<16xf32, #tpu.memory_space<hbm>>
      %dma_wait3A_216 = arith.constant 64 : i32
      %dma_wait3A_217 = tpu.memref_slice %arg9[%dma_wait3A_216] : memref<96xf32, #tpu.memory_space<vmem>> -> memref<16xf32, #tpu.memory_space<vmem>>
      %dma_wait3A_218 = tpu.memref_slice %arg2[%min3A_91, %min3A_93, %multiple_of3A_153] : memref<16x512x1024xf32, #tpu.memory_space<hbm>> -> memref<1x1x16xf32, #tpu.memory_space<hbm>>
      %dma_wait3A_219 = tpu.memref_squeeze %dma_wait3A_218 : memref<1x1x16xf32, #tpu.memory_space<hbm>> -> memref<16xf32, #tpu.memory_space<hbm>>
      tpu.wait_dma2 semaphore(%arg14 : memref<!tpu.dma_semaphore, #tpu.memory_space<semaphore_mem>>) src(%dma_wait3A_219 : memref<16xf32, #tpu.memory_space<hbm>>) dst(%dma_wait3A_217 : memref<16xf32, #tpu.memory_space<vmem>>)
      %dma_wait3A_220 = arith.constant 0 : i32
      %dma_wait3A_221 = arith.constant 80 : i32
      %dma_wait3A_222 = tpu.memref_slice %arg9[%dma_wait3A_221] : memref<96xf32, #tpu.memory_space<vmem>> -> memref<16xf32, #tpu.memory_space<vmem>>
      %dma_wait3A_223 = tpu.memref_slice %arg3[%min3A_91, %dma_wait3A_220, %min3A_93, %multiple_of3A_167] : memref<16x1x512x1024xf32, #tpu.memory_space<hbm>> -> memref<1x1x1x16xf32, #tpu.memory_space<hbm>>
      %dma_wait3A_224 = tpu.memref_squeeze %dma_wait3A_223 : memref<1x1x1x16xf32, #tpu.memory_space<hbm>> -> memref<16xf32, #tpu.memory_space<hbm>>
      %dma_wait3A_225 = arith.constant 80 : i32
      %dma_wait3A_226 = tpu.memref_slice %arg9[%dma_wait3A_225] : memref<96xf32, #tpu.memory_space<vmem>> -> memref<16xf32, #tpu.memory_space<vmem>>
      %dma_wait3A_227 = tpu.memref_slice %arg3[%min3A_91, %dma_wait3A_220, %min3A_93, %multiple_of3A_167] : memref<16x1x512x1024xf32, #tpu.memory_space<hbm>> -> memref<1x1x1x16xf32, #tpu.memory_space<hbm>>
      %dma_wait3A_228 = tpu.memref_squeeze %dma_wait3A_227 : memref<1x1x1x16xf32, #tpu.memory_space<hbm>> -> memref<16xf32, #tpu.memory_space<hbm>>
      tpu.wait_dma2 semaphore(%arg14 : memref<!tpu.dma_semaphore, #tpu.memory_space<semaphore_mem>>) src(%dma_wait3A_228 : memref<16xf32, #tpu.memory_space<hbm>>) dst(%dma_wait3A_226 : memref<16xf32, #tpu.memory_space<vmem>>)
      %get3A_229 = arith.constant 0 : index
      %get3A_230 = tpu.vector_load %arg9[%get3A_229] {strides = array<i32>} : memref<96xf32, #tpu.memory_space<vmem>>, vector<16xf32>,
      %get3A_231 = vector.shape_cast %get3A_230 : vector<16xf32> to vector<16xf32>
      %swap3A_232 = arith.constant 0 : index
      %swap3A_233 = tpu.vector_load %arg10[%swap3A_232] {strides = array<i32>} : memref<32xf32, #tpu.memory_space<vmem>>, vector<16xf32>,
      %swap3A_234 = vector.shape_cast %swap3A_233 : vector<16xf32> to vector<16xf32>
      %swap3A_235 = vector.shape_cast %get3A_231 : vector<16xf32> to vector<16xf32>
      tpu.vector_store %arg10[%swap3A_232], %swap3A_235 {strides = array<i32>} : memref<32xf32, #tpu.memory_space<vmem>>, vector<16xf32>,
      %get3A_236 = arith.index_cast %sub3A : i32 to index
      %get3A_237 = tpu.vector_load %arg10[%get3A_236] {strides = array<i32>} : memref<32xf32, #tpu.memory_space<vmem>>, vector<16xf32>,
      %get3A_238 = vector.shape_cast %get3A_237 : vector<16xf32> to vector<16xf32>
      %slice3A = vector.extract_strided_slice %get3A_238 {offsets = [0], sizes = [1], strides = [1]} : vector<16xf32> to vector<1xf32>
      %squeeze3A = vector.extract %slice3A[0] : f32 from vector<1xf32>
      %get3A_239 = arith.constant 16 : index
      %get3A_240 = tpu.vector_load %arg9[%get3A_239] {strides = array<i32>} : memref<96xf32, #tpu.memory_space<vmem>>, vector<16xf32>,
      %get3A_241 = vector.shape_cast %get3A_240 : vector<16xf32> to vector<16xf32>
      %swap3A_242 = arith.constant 0 : index
      %swap3A_243 = tpu.vector_load %arg10[%swap3A_242] {strides = array<i32>} : memref<32xf32, #tpu.memory_space<vmem>>, vector<16xf32>,
      %swap3A_244 = vector.shape_cast %swap3A_243 : vector<16xf32> to vector<16xf32>
      %swap3A_245 = vector.shape_cast %get3A_241 : vector<16xf32> to vector<16xf32>
      tpu.vector_store %arg10[%swap3A_242], %swap3A_245 {strides = array<i32>} : memref<32xf32, #tpu.memory_space<vmem>>, vector<16xf32>,
      %get3A_246 = arith.index_cast %sub3A_110 : i32 to index
      %get3A_247 = tpu.vector_load %arg10[%get3A_246] {strides = array<i32>} : memref<32xf32, #tpu.memory_space<vmem>>, vector<16xf32>,
      %get3A_248 = vector.shape_cast %get3A_247 : vector<16xf32> to vector<16xf32>
      %slice3A_249 = vector.extract_strided_slice %get3A_248 {offsets = [0], sizes = [1], strides = [1]} : vector<16xf32> to vector<1xf32>
      %squeeze3A_250 = vector.extract %slice3A_249[0] : f32 from vector<1xf32>
      %get3A_251 = arith.constant 32 : index
      %get3A_252 = tpu.vector_load %arg9[%get3A_251] {strides = array<i32>} : memref<96xf32, #tpu.memory_space<vmem>>, vector<16xf32>,
      %get3A_253 = vector.shape_cast %get3A_252 : vector<16xf32> to vector<16xf32>
      %swap3A_254 = arith.constant 0 : index
      %swap3A_255 = tpu.vector_load %arg10[%swap3A_254] {strides = array<i32>} : memref<32xf32, #tpu.memory_space<vmem>>, vector<16xf32>,
      %swap3A_256 = vector.shape_cast %swap3A_255 : vector<16xf32> to vector<16xf32>
      %swap3A_257 = vector.shape_cast %get3A_253 : vector<16xf32> to vector<16xf32>
      tpu.vector_store %arg10[%swap3A_254], %swap3A_257 {strides = array<i32>} : memref<32xf32, #tpu.memory_space<vmem>>, vector<16xf32>,
      %get3A_258 = arith.index_cast %sub3A_125 : i32 to index
      %get3A_259 = tpu.vector_load %arg10[%get3A_258] {strides = array<i32>} : memref<32xf32, #tpu.memory_space<vmem>>, vector<16xf32>,
      %get3A_260 = vector.shape_cast %get3A_259 : vector<16xf32> to vector<16xf32>
      %slice3A_261 = vector.extract_strided_slice %get3A_260 {offsets = [0], sizes = [1], strides = [1]} : vector<16xf32> to vector<1xf32>
      %squeeze3A_262 = vector.extract %slice3A_261[0] : f32 from vector<1xf32>
      %get3A_263 = arith.constant 48 : index
      %get3A_264 = tpu.vector_load %arg9[%get3A_263] {strides = array<i32>} : memref<96xf32, #tpu.memory_space<vmem>>, vector<16xf32>,
      %get3A_265 = vector.shape_cast %get3A_264 : vector<16xf32> to vector<16xf32>
      %swap3A_266 = arith.constant 0 : index
      %swap3A_267 = tpu.vector_load %arg10[%swap3A_266] {strides = array<i32>} : memref<32xf32, #tpu.memory_space<vmem>>, vector<16xf32>,
      %swap3A_268 = vector.shape_cast %swap3A_267 : vector<16xf32> to vector<16xf32>
      %swap3A_269 = vector.shape_cast %get3A_265 : vector<16xf32> to vector<16xf32>
      tpu.vector_store %arg10[%swap3A_266], %swap3A_269 {strides = array<i32>} : memref<32xf32, #tpu.memory_space<vmem>>, vector<16xf32>,
      %get3A_270 = arith.index_cast %sub3A_139 : i32 to index
      %get3A_271 = tpu.vector_load %arg10[%get3A_270] {strides = array<i32>} : memref<32xf32, #tpu.memory_space<vmem>>, vector<16xf32>,
      %get3A_272 = vector.shape_cast %get3A_271 : vector<16xf32> to vector<16xf32>
      %slice3A_273 = vector.extract_strided_slice %get3A_272 {offsets = [0], sizes = [1], strides = [1]} : vector<16xf32> to vector<1xf32>
      %squeeze3A_274 = vector.extract %slice3A_273[0] : f32 from vector<1xf32>
      %get3A_275 = arith.constant 64 : index
      %get3A_276 = tpu.vector_load %arg9[%get3A_275] {strides = array<i32>} : memref<96xf32, #tpu.memory_space<vmem>>, vector<16xf32>,
      %get3A_277 = vector.shape_cast %get3A_276 : vector<16xf32> to vector<16xf32>
      %swap3A_278 = arith.constant 0 : index
      %swap3A_279 = tpu.vector_load %arg10[%swap3A_278] {strides = array<i32>} : memref<32xf32, #tpu.memory_space<vmem>>, vector<16xf32>,
      %swap3A_280 = vector.shape_cast %swap3A_279 : vector<16xf32> to vector<16xf32>
      %swap3A_281 = vector.shape_cast %get3A_277 : vector<16xf32> to vector<16xf32>
      tpu.vector_store %arg10[%swap3A_278], %swap3A_281 {strides = array<i32>} : memref<32xf32, #tpu.memory_space<vmem>>, vector<16xf32>,
      %get3A_282 = arith.index_cast %sub3A_154 : i32 to index
      %get3A_283 = tpu.vector_load %arg10[%get3A_282] {strides = array<i32>} : memref<32xf32, #tpu.memory_space<vmem>>, vector<16xf32>,
      %get3A_284 = vector.shape_cast %get3A_283 : vector<16xf32> to vector<16xf32>
      %slice3A_285 = vector.extract_strided_slice %get3A_284 {offsets = [0], sizes = [1], strides = [1]} : vector<16xf32> to vector<1xf32>
      %squeeze3A_286 = vector.extract %slice3A_285[0] : f32 from vector<1xf32>
      %get3A_287 = arith.constant 80 : index
      %get3A_288 = tpu.vector_load %arg9[%get3A_287] {strides = array<i32>} : memref<96xf32, #tpu.memory_space<vmem>>, vector<16xf32>,
      %get3A_289 = vector.shape_cast %get3A_288 : vector<16xf32> to vector<16xf32>
      %swap3A_290 = arith.constant 0 : index
      %swap3A_291 = tpu.vector_load %arg10[%swap3A_290] {strides = array<i32>} : memref<32xf32, #tpu.memory_space<vmem>>, vector<16xf32>,
      %swap3A_292 = vector.shape_cast %swap3A_291 : vector<16xf32> to vector<16xf32>
      %swap3A_293 = vector.shape_cast %get3A_289 : vector<16xf32> to vector<16xf32>
      tpu.vector_store %arg10[%swap3A_290], %swap3A_293 {strides = array<i32>} : memref<32xf32, #tpu.memory_space<vmem>>, vector<16xf32>,
      %get3A_294 = arith.index_cast %sub3A_168 : i32 to index
      %get3A_295 = tpu.vector_load %arg10[%get3A_294] {strides = array<i32>} : memref<32xf32, #tpu.memory_space<vmem>>, vector<16xf32>,
      %get3A_296 = vector.shape_cast %get3A_295 : vector<16xf32> to vector<16xf32>
      %slice3A_297 = vector.extract_strided_slice %get3A_296 {offsets = [0], sizes = [1], strides = [1]} : vector<16xf32> to vector<1xf32>
      %squeeze3A_298 = vector.extract %slice3A_297[0] : f32 from vector<1xf32>
      %sub3A_299 = arith.subf %squeeze3A, %squeeze3A_250 : f32
      %abs3A = math.absf %sub3A_299 : f32
      %sub3A_300 = arith.subf %squeeze3A_262, %squeeze3A_274 : f32
      %abs3A_301 = math.absf %sub3A_300 : f32
      %sub3A_302 = arith.subf %squeeze3A_286, %squeeze3A_298 : f32
      %abs3A_303 = math.absf %sub3A_302 : f32
      %lt3A_304 = arith.constant 16 : i32
      %lt3A_305 = arith.cmpi slt, %and3A_70, %lt3A_304 : i32
      %lt3A_306 = arith.constant 16 : i32
      %lt3A_307 = arith.cmpi slt, %and3A_72, %lt3A_306 : i32
      %lt3A_308 = arith.constant 512 : i32
      %lt3A_309 = arith.cmpi slt, %and3A_80, %lt3A_308 : i32
      %and3A_310 = arith.andi %lt3A_307, %lt3A_309 : i1
      %eq3A_311 = arith.cmpi eq, %shift_right_arithmetic3A_66, %min3A_89 : i32
      %eq3A_312 = arith.cmpi eq, %shift_right_arithmetic3A_74, %and3A_78 : i32
      %and3A_313 = arith.andi %eq3A_311, %eq3A_312 : i1
      %eq3A_314 = arith.cmpi eq, %shift_right_arithmetic3A_82, %and3A_86 : i32
      %and3A_315 = arith.andi %and3A_313, %eq3A_314 : i1
      %or3A = arith.ori %lt3A_305, %and3A_315 : i1
      %eq3A_316 = arith.cmpi eq, %and3A_72, %min3A_89 : i32
      %eq3A_317 = arith.cmpi eq, %and3A_80, %and3A_78 : i32
      %and3A_318 = arith.andi %eq3A_316, %eq3A_317 : i1
      %eq3A_319 = arith.cmpi eq, %and3A_88, %and3A_86 : i32
      %and3A_320 = arith.andi %and3A_318, %eq3A_319 : i1
      %and3A_321 = arith.andi %and3A_310, %and3A_320 : i1
      %or3A_322 = arith.ori %or3A, %and3A_321 : i1
      %eq3A_323 = arith.cmpi eq, %shift_right_arithmetic3A_66, %min3A_91 : i32
      %eq3A_324 = arith.cmpi eq, %shift_right_arithmetic3A_74, %min3A_93 : i32
      %and3A_325 = arith.andi %eq3A_323, %eq3A_324 : i1
      %eq3A_326 = arith.cmpi eq, %shift_right_arithmetic3A_82, %and3A_88 : i32
      %and3A_327 = arith.andi %and3A_325, %eq3A_326 : i1
      %or3A_328 = arith.ori %and3A_310, %and3A_327 : i1
      %eq3A_329 = arith.cmpi eq, %and3A_70, %min3A_91 : i32
      %eq3A_330 = arith.cmpi eq, %and3A_78, %min3A_93 : i32
      %and3A_331 = arith.andi %eq3A_329, %eq3A_330 : i1
      %eq3A_332 = arith.cmpi eq, %and3A_86, %and3A_88 : i32
      %and3A_333 = arith.andi %and3A_331, %eq3A_332 : i1
      %and3A_334 = arith.andi %lt3A_305, %and3A_333 : i1
      %or3A_335 = arith.ori %or3A_328, %and3A_334 : i1
      %select_n3A_336 = arith.select %or3A_322, %abs3A_301, %squeeze3A_262 : f32
      %select_n3A_337 = arith.select %or3A_335, %abs3A_303, %squeeze3A_286 : f32
      %lt3A_338 = arith.constant 1.000000e+00 : f32
      %lt3A_339 = arith.cmpf olt, %abs3A, %lt3A_338 : f32
      %convert_element_type3A_340 = arith.extui %lt3A_339 : i1 to i32
      %convert_element_type3A_341 = arith.sitofp %convert_element_type3A_340 : i32 to f32
      %lt3A_342 = arith.constant 1.000000e+00 : f32
      %lt3A_343 = arith.cmpf olt, %select_n3A_336, %lt3A_342 : f32
      %convert_element_type3A_344 = arith.extui %lt3A_343 : i1 to i32
      %convert_element_type3A_345 = arith.sitofp %convert_element_type3A_344 : i32 to f32
      %add3A_346 = arith.addf %convert_element_type3A_341, %convert_element_type3A_345 : f32
      %lt3A_347 = arith.constant 1.000000e+00 : f32
      %lt3A_348 = arith.cmpf olt, %select_n3A_337, %lt3A_347 : f32
      %convert_element_type3A_349 = arith.extui %lt3A_348 : i1 to i32
      %convert_element_type3A_350 = arith.sitofp %convert_element_type3A_349 : i32 to f32
      %add3A_351 = arith.addf %add3A_346, %convert_element_type3A_350 : f32
      %mul3A = arith.constant 0.333333343 : f32
      %mul3A_352 = arith.mulf %add3A_351, %mul3A : f32
      %sub3A_353 = arith.constant 1.000000e+00 : f32
      %sub3A_354 = arith.subf %sub3A_353, %mul3A_352 : f32
      %mul3A_355 = arith.constant 1.000000e+02 : f32
      %mul3A_356 = arith.mulf %sub3A_354, %mul3A_355 : f32
      %broadcast_in_dim3A_357 = arith.constant 0.000000e+00 : f32
      %broadcast_in_dim3A_358 = vector.broadcast %broadcast_in_dim3A_357 : f32 to vector<16xf32>
      %add3A_359 = vector.broadcast %mul3A_356 : f32 to vector<16xf32>
      %add3A_360 = arith.addf %broadcast_in_dim3A_358, %add3A_359 : vector<16xf32>
      %swap3A_361 = arith.constant 0 : index
      %swap3A_362 = tpu.vector_load %arg12[%swap3A_361] {strides = array<i32>} : memref<16xf32, #tpu.memory_space<vmem>>, vector<16xf32>,
      %swap3A_363 = vector.shape_cast %swap3A_362 : vector<16xf32> to vector<16xf32>
      %swap3A_364 = vector.shape_cast %add3A_360 : vector<16xf32> to vector<16xf32>
      tpu.vector_store %arg12[%swap3A_361], %swap3A_364 {strides = array<i32>} : memref<16xf32, #tpu.memory_space<vmem>>, vector<16xf32>,
      "tpu.region"() ({
        %run_scoped3A = tpu.sem_alloc : memref<!tpu.dma_semaphore, #tpu.memory_space<semaphore_mem>>
        tpu.enqueue_dma source(%arg12 : memref<16xf32, #tpu.memory_space<vmem>>) target(%arg5 : memref<16xf32, #tpu.memory_space<hbm>>) target_semaphore(%run_scoped3A : memref<!tpu.dma_semaphore, #tpu.memory_space<semaphore_mem>>)
        tpu.wait_dma2 semaphore(%run_scoped3A : memref<!tpu.dma_semaphore, #tpu.memory_space<semaphore_mem>>) src(%arg12 : memref<16xf32, #tpu.memory_space<vmem>>) dst(%arg5 : memref<16xf32, #tpu.memory_space<hbm>>)
        tpu.yield
      }) : () -> ()
    } else {
    }
    return
  }
}

</mosaic_0001>

<sc_bundles>
// kernel: kernel.3.cloned.1.call-start
scs
__scs_entry_jumppad:
0x0: {  	(pc) =	sbr.rel $0x88, $3  }
0x1: {  	(tag) =	ssettag $0x0;
	lr =	simm.s32 $0x1  }
0x2: {  	[smem:$0x3F9E] =	sst lr;
	_ =	strace $0xD0000000  }
0x3: {  	_ = 	snop  }
0x4: {  	_ = 	snop  }
0x5: {  	_ = 	snop  }
0x6: {  	_ = 	snop  }
0x7: {  	_ = 	snop  }
__scs_overlays_trampoline_lowered:
0x8: {  	[smem:$0x3FAD] =	sst s0  }
0x9: {  	[smem:$0x3FAE] =	sst s1  }
0xa: {  	[smem:$0x3FAF] =	sst s2  }
0xb: {  	[smem:$0x3FB0] =	sst s3  }
0xc: {  	[smem:$0x3FB1] =	sst s4  }
0xd: {  	[smem:$0x3FB2] =	sst s5  }
0xe: {  	[smem:$0x3FB3] =	sst s6  }
0xf: {  	[smem:$0x3FB4] =	sst s7  }
0x10: {  	[smem:$0x3FB5] =	sst s8  }
0x11: {  	[smem:$0x3FB6] =	sst s9;
	s0 =	simm.s32 @!p0 $0x0  }
0x12: {  	s1 =	sld [smem:$0x3F9C];
	s0 =	simm.s32 @p0 $0x1  }
0x13: {  	[smem:$0x3FB7] =	sst s0;
	s0 =	simm.s32 @!p1 $0x0  }
0x14: {  	s2 =	sld [smem:$0x3F9B];
	s0 =	simm.s32 @p1 $0x1  }
0x15: {  	[smem:$0x3FB8] =	sst s0;
	s0 =	simm.s32 @!p2 $0x0  }
0x16: {  	s3 =	sld [smem:$0x3FDB];
	s0 =	simm.s32 @p2 $0x1  }
0x17: {  	s4 =	simm.s32 $0x1BF5;
	[smem:$0x3FBA] =	sst s0  }
0x18: {  	s0 =	sld [smem:$0x3F9D];
	_ =	swait.ge [sflag:s4], $0x0  }
0x19: {  	s7 =	sld [smem:$0x3F9E]  }
0x1a: {  	s8 =	sadd.s32 $0xFFFFE003, lr  }
0x1b: {  	s9 =	sadd.s32 $0xFFFFFEF7, lr;
	s5 =	simm.s32 $0xFFFFFFFF;
	p2 =	slt.u32 s8, $0xFFFFF086  }
0x1c: {  	p1 =	slt.u32 s9, $0xF7A;
	s5 =	simm.s32 @!p2 $0x0  }
0x1d: {  	s5 =	simm.s32 @p1 $0x1;
	p0 =	seq.s32 s7, s2  }
0x1e: {  	s7 =	smul.u32 @!p0 $0xF7A, s2;
	p2 =	seq.s32 @!p0 s5, $0x0  }
0x1f: {  	s9 =	smul.u32 $0xF7A, s1;
	s8 =	simm.s32 @!p0 $0x1BF5;
	p2 =	por !p2, p0  }
0x20: {  	[sflag:s8] =	ssyncset.s32 @!p0 $0xFFFFF086;
	s6 =	sadd.s32 @!p0 s3, s7;
	s7 =	simm.s32 @!p0 $0x108  }
0x21: {  	s3 =	sadd.s32 s3, s9;
	s6 =	sadd.s32 @!p0 $0x88, s6;
	s7 =	simm.s32 @p2 $0x1082  }
0x22: {  	[simem:s7], [sflag:s8] =	dma.local @!p0 [hbm:s6], $0xF7A  }
0x23: {  	s9 =	sor.u32 $0xD0000000, s2;
	s6 =	simm.s32 $0x108;
	_ =	swait.ge @!p0 [sflag:s8], $0x0  }
0x24: {  	s3 =	sadd.s32 $0x88, s3;
	s6 =	simm.s32 @!p1 $0x1082;
	[sflag:s4] =	ssyncset.s32 $0xFFFFF086  }
0x25: {  	[simem:s6], [sflag:s4] =	dma.local [hbm:s3], $0xF7A  }
0x26: {  	[smem:$0x3F9E] =	sst s1;
	(tag) =	ssettag s2;
	_ =	strace s9  }
0x27: {  	s1 =	sld [smem:$0x3FAE]  }
0x28: {  	s2 =	sld [smem:$0x3FAF]  }
0x29: {  	s4 =	sld [smem:$0x3FB1]  }
0x2a: {  	p0 =	seq.s32 s5, $0x0;
	s5 =	sld [smem:$0x3FB2]  }
0x2b: {  	s6 =	sld [smem:$0x3FB3]  }
0x2c: {  	s7 =	sld [smem:$0x3FB4]  }
0x2d: {  	s3 =	simm.s32 $0x108;
	s8 =	sld [smem:$0x3FB5]  }
0x2e: {  	s3 =	simm.s32 @!p0 $0x1082;
	s9 =	sld [smem:$0x3FB6]  }
0x2f: {  	lr =	sadd.s32 s0, s3;
	s0 =	sld [smem:$0x3FAD]  }
0x30: {  	s3 =	sld [smem:$0x3FB0]  }
0x31: {  	[smem:$0x3FB9] =	sst s10  }
0x32: {  	s10 =	sld [smem:$0x3FB7];
	_ =	sdelay $0x3  }
0x33: {  	p0 =	seq.s32 s10, $0x1;
	s10 =	sld [smem:$0x3FB9];
	_ =	sdelay $0x3  }
0x34: {  	[smem:$0x3FB9] =	sst s10  }
0x35: {  	s10 =	sld [smem:$0x3FB8];
	_ =	sdelay $0x3  }
0x36: {  	p1 =	seq.s32 s10, $0x1;
	s10 =	sld [smem:$0x3FB9];
	_ =	sdelay $0x3  }
0x37: {  	[smem:$0x3FB9] =	sst s10  }
0x38: {  	s10 =	sld [smem:$0x3FBA]  }
0x39: {  	_ = 	snop;
	(pc) =	sbr.ind lr, $3  }
0x3a: {  	_ = 	snop  }
0x3b: {  	_ = 	snop  }
0x3c: {  	p2 =	seq.s32 s10, $0x1;
	s10 =	sld [smem:$0x3FB9]  }
0x3d: {  	_ =	shalt  }
0x3e: {  	_ =	shalt  }
0x3f: {  	_ =	shalt  }
0x40: {  	_ =	shalt  }
0x41: {  	_ =	shalt  }
0x42: {  	_ =	shalt  }
0x43: {  	_ =	shalt  }
0x44: {  	_ =	shalt  }
0x45: {  	_ =	shalt  }
0x46: {  	_ =	shalt  }
0x47: {  	_ =	shalt  }
0x48: {  	_ =	shalt  }
0x49: {  	_ =	shalt  }
0x4a: {  	_ =	shalt  }
0x4b: {  	_ =	shalt  }
0x4c: {  	_ =	shalt  }
0x4d: {  	_ =	shalt  }
0x4e: {  	_ =	shalt  }
0x4f: {  	_ =	shalt  }
0x50: {  	_ =	shalt  }
0x51: {  	_ =	shalt  }
0x52: {  	_ =	shalt  }
0x53: {  	_ =	shalt  }
0x54: {  	_ =	shalt  }
0x55: {  	_ =	shalt  }
0x56: {  	_ =	shalt  }
0x57: {  	_ =	shalt  }
0x58: {  	_ =	shalt  }
0x59: {  	_ =	shalt  }
0x5a: {  	_ =	shalt  }
0x5b: {  	_ =	shalt  }
0x5c: {  	_ =	shalt  }
0x5d: {  	_ =	shalt  }
0x5e: {  	_ =	shalt  }
0x5f: {  	_ =	shalt  }
0x60: {  	_ =	shalt  }
0x61: {  	_ =	shalt  }
0x62: {  	_ =	shalt  }
0x63: {  	_ =	shalt  }
0x64: {  	_ =	shalt  }
0x65: {  	_ =	shalt  }
0x66: {  	_ =	shalt  }
0x67: {  	_ =	shalt  }
0x68: {  	_ =	shalt  }
0x69: {  	_ =	shalt  }
0x6a: {  	_ =	shalt  }
0x6b: {  	_ =	shalt  }
0x6c: {  	_ =	shalt  }
0x6d: {  	_ =	shalt  }
0x6e: {  	_ =	shalt  }
0x6f: {  	_ =	shalt  }
0x70: {  	_ =	shalt  }
0x71: {  	_ =	shalt  }
0x72: {  	_ =	shalt  }
0x73: {  	_ =	shalt  }
0x74: {  	_ =	shalt  }
0x75: {  	_ =	shalt  }
0x76: {  	_ =	shalt  }
0x77: {  	_ =	shalt  }
0x78: {  	_ =	shalt  }
0x79: {  	_ =	shalt  }
0x7a: {  	_ =	shalt  }
0x7b: {  	_ =	shalt  }
0x7c: {  	_ =	shalt  }
0x7d: {  	_ =	shalt  }
0x7e: {  	_ =	shalt  }
0x7f: {  	_ =	shalt  }
0x80: {  	_ =	shalt  }
0x81: {  	_ =	shalt  }
0x82: {  	_ =	shalt  }
0x83: {  	_ =	shalt  }
0x84: {  	_ =	shalt  }
0x85: {  	_ =	shalt  }
0x86: {  	_ =	shalt  }
0x87: {  	_ =	shalt  }
.Lfunc_end0:
.L_simem_size_0:
called_computation_lowered:
.L_overlay_start_0:
0x88: {  	s0 =	sld [smem:$0x3FD9]  }
0x89: {  	s1 =	sld [smem:$0x3FFE];
	_ =	sdelay $0x3  }
0x8a: {  	s0 =	sadd.s32 s1, s0  }
0x8b: {  	[smem:$0x3FC5] =	sst s0  }
0x8c: {  	_ = 	snop  }
0x8d: {  	s0 =	sld [smem:$0x3FC9]  }
0x8e: {  	s16 =	sld [smem:$0x3FC8]  }
0x8f: {  	s2 =	sld [smem:$0x3FD0];
	(tm) =	ssettm $0x1  }
0x90: {  	s3 =	sld [smem:$0x3FFB];
	_ =	sdelay $0x3  }
0x91: {  	_ =	strace s3  }
0x92: {  	s3 =	sld [smem:$0x3FFC];
	_ =	sdelay $0x3  }
0x93: {  	_ =	strace s3  }
0x94: {  	s3 =	sld [smem:$0x3FFD];
	_ =	sdelay $0x3  }
0x95: {  	_ =	strace s3  }
0x96: {  	_ =	strace $0x8FFFFFFF  }
0x97: {  	s17 =	sld [smem:$0x3FDB];
	_ =	sdelay $0x1  }
0x98: {  	s4 =	simm.s32 $_scs_section_size  }
0x99: {  	s5 =	simm.s32 $_size__tile_overlayer_lowered;
	s6 =	simm.s32 $_tile_overlayer_lowered  }
0x9a: {  	s20 =	simm.s32 $0x1BFF;
	s19 =	sshll.u32 s6, $0x1;
	s3 =	sadd.s32 s4, s17  }
0x9b: {  	s7 =	simm.s32 $0x0;
	s18 =	sshll.u32 s5, $0x1;
	s5 =	sadd.s32 s19, s3  }
0x9c: {  	[timem:s7], [sflag:s20] =	dma.local [hbm:s5], s18  }
0x9d: {  	_ =	swait.ge [sflag:s20], s18  }
0x9e: {  	s4 =	ssub.s32 $0x0, s18;
	[sflag:s20] =	ssyncset.done $0x0  }
0x9f: {  	[sflag:s20] =	ssyncadd.s32 s4;
	_ =	sdelay $0x1  }
0xa0: {  	s21 =	simm.s32 $0x1B8B  }
0xa1: {  	_ =	swait.ge [sflag:s21], $0x1  }
0xa2: {  	[sflag:s21] =	ssyncset.done $0x0  }
0xa3: {  	s23 =	simm.s32 $0x1B8E;
	s22 =	sld [smem:$0x3FFE];
	[sflag:s21] =	ssyncadd.s32 $0xFFFFFFFF  }
0xa4: {  	s24 =	simm.s32 $execute0_lowered;
	[smem:$0x3FD2] =	sst s23  }
0xa5: {  	s5 =	sshll.u32 s24, $0x1;
	_ =	strace $0x80000046;
	[dreg:$0x1] =	wrdreg $0xFFFFFFFF  }
0xa6: {  	s25 =	simm.s32 $_size_execute0_lowered;
	s3 =	sadd.s32 s3, s5;
	[dreg:$0x0] =	wrdreg $0x0  }
0xa7: {  	s5 =	sshll.u32 s25, $0x1;
	[dreg:$0x2] =	wrdreg s3  }
0xa8: {  	[dreg:$0x3] =	wrdreg s5  }
0xa9: {  	[dreg:$0x4] =	wrdreg $0xC0  }
0xaa: {  	_ =	task [dreg:s7], $0x5FFFF  }
0xab: {  	[dreg:$0x1] =	wrdreg $0xFFFFFFFF  }
0xac: {  	[dreg:$0x0] =	wrdreg $0x60  }
0xad: {  	[dreg:$0x2] =	wrdreg s16  }
0xae: {  	[dreg:$0x3] =	wrdreg s0  }
0xaf: {  	[dreg:$0x4] =	wrdreg s22  }
0xb0: {  	[dreg:$0x5] =	wrdreg s2  }
0xb1: {  	[dreg:$0x6] =	wrdreg $0x9  }
0xb2: {  	_ =	task.clear_ibuf [dreg:s7], $0x7FFFF;
	_ =	strace $0x90000046  }
0xb3: {  	s26 =	simm.s32 $0x9;
	_ =	strace $0x80000048  }
0xb4: {  	_ =	swait.ge [sflag:s26], $0x1  }
0xb5: {  	[sflag:s26] =	ssyncadd.s32 $0xFFFFFFFF  }
0xb6: {  	_ =	strace $0x90000048  }
0xb7: {  	_ =	sfence  }
0xb8: {  	s28 =	sld [smem:$0x0];
	_ =	sdelay $0x1  }
0xb9: {  	s29 =	srdreg.scid  }
0xba: {  	s30 =	sshll.u32 s29, $0xD;
	s31 =	sshrl.u32 s29, $0x2  }
0xbb: {  	s1 =	sand.u32 $0x1, s29;
	s2 =	sand.u32 $0x4000, s30;
	s0 =	sadd.s32 s31, s28  }
0xbc: {  	s1 =	sor.u32 s2, s1;
	s0 =	sshll.u32 s0, $0x11  }
0xbd: {  	s0 =	sor.u32 s0, s1  }
0xbe: {  	s0 =	sadd.s32 $0x8F2B, s0  }
0xbf: {  	[sflag:s0] =	ssyncadd.remote.s32 $0x1  }
0xc0: {  	_ =	sfence.sel $0xFFFF  }
0xc1: {  	[dreg:$0x0] =	wrdreg $0xFFFFFFFF;
	(pc) =	sbr.abs _section_cstart, $3  }
0xc2: {  	[dreg:$0x1] =	wrdreg $0xFFFFFFFF  }
0xc3: {  	_ =	task.clear_ibuf [dreg:s7], $0x2FFFF;
	_ =	strace $0x9FFFFFFF  }
0xc4: {  	(tm) =	ssettm $0x7FFFFFFF  }
0xc5: {  	_ =	shalt  }
tec
execute0_lowered:
.L_overlay_start_1:
0x0: {  	(tag) =	ssettag $0x1  }
0x1: {  	s3 =	rddreg [dreg:$0x0]  }
0x2: {  	s2 =	rddreg [dreg:$0x1]  }
0x3: {  	s5 =	rddreg [dreg:$0x2]  }
0x4: {  	s1 =	rddreg [dreg:$0x3]  }
0x5: {  	s0 =	rddreg [dreg:$0x4];
	s4 =	simm.s32 $0x0  }
0x6: {  	[smem:$0x7FF] =	sst s4  }
0x7: {  	s6 =	simm.s32 $0x8100;
	s5 =	sadd.s32 $0x400, s5;
	_ =	strace $0x80000047  }
0x8: {  	[tilespmem:s6], [sflag:$0x1] =	stream.linear.gather [hbm4b:s5+s4], $0x80, $0x38;
	[tilespmem:$0x8380] =	vst v63  }
0x9: {  	s29 =	simm.s32 $0x80;
	s30 =	simm.s32 $0x400;
	s5 =	simm.s32 $0x1  }
0xa: {  	[tilespmem:s4], [sflag:$0x1] =	stream.strided.gather [hbm4b:s3+s29], $0x100, s30, s29, $0x38;
	[tilespmem:$0x8380] =	vst v63  }
0xb: {  	_ =	swait.ge [sflag:s5], $0x80  }
0xc: {  	[sflag:s5] =	ssyncset.done $0x0  }
0xd: {  	[sflag:s5] =	ssyncadd.s32 $0xFFFFFF80  }
0xe: {  	s31 =	stileid.u32;
	_ =	swait.ge [sflag:s5], $0x100  }
0xf: {  	s7 =	simm.s32 $0x0;
	p0 =	seq.s32 s31, $0x0;
	[sflag:s5] =	ssyncset.done $0x0  }
0x10: {  	s7 =	simm.s32 @!p0 $0x3;
	p0 =	sne.s32 s31, $0x0;
	[sflag:s5] =	ssyncadd.s32 $0xFFFFFF00  }
.Ltmp0:
0x11: {  	v0 =	vld [tilespmem:$0x8100];
	(pc) =	sbr.rel @p0 .LBB2_2-.Ltmp0, $4  }
0x12: {  	[smem:$0x0] =	sst s7  }
0x13: {  	[smem:$0x1] =	sst s4  }
0x14: {  	v1 =	vimm.s32 $0x40000000;
	s8 =	simm.s32 $0x0;
	s9 =	simm.s32 $0x0;
	[smem:$0x2] =	sst s4  }
0x15: {  	s10 =	simm.s32 $0x0;
	s7 =	simm.s32 $0x3;
	[tilespmem:$0x8290] =	vst v1;
	[smem:$0x3] =	sst s4  }
0x16: {  	v1 =	vld [tilespmem:$0x0]  }
0x17: {  	v2 =	vld [tilespmem:$0x10];
	v4 =	vlaneseq.u32  }
0x18: {  	v3 =	vld [tilespmem:$0x20];
	v6 =	vor.u32 $0x10, v4  }
0x19: {  	v5 =	vld [tilespmem:$0x40];
	v37 =	vor.u32 $0x20, v4;
	v8 =	vor.u32 $0x30, v4;
	v10 =	vor.u32 $0x40, v4  }
0x1a: {  	v7 =	vld [tilespmem:$0x50];
	v12 =	vor.u32 $0x50, v4;
	v14 =	vor.u32 $0x60, v4;
	v16 =	vor.u32 $0x70, v4  }
0x1b: {  	v9 =	vld [tilespmem:$0x60];
	v18 =	vor.u32 $0x80, v4;
	v20 =	vor.u32 $0x90, v4;
	v22 =	vor.u32 $0xA0, v4  }
0x1c: {  	v11 =	vld [tilespmem:$0x70];
	v24 =	vor.u32 $0xB0, v4;
	v26 =	vor.u32 $0xC0, v4;
	v28 =	vor.u32 $0xD0, v4  }
0x1d: {  	v13 =	vld [tilespmem:$0x80];
	v29 =	vor.u32 $0xE0, v4;
	vm0 =	vgt.f32 v1, $0.0e+00;
	vm1 =	vlt.f32 v1, v0  }
0x1e: {  	vm15 =	vgt.f32 v2, $0.0e+00;
	vm2 =	vlt.f32 v2, v0;
	vm5 =	vgt.f32 v3, $0.0e+00  }
0x1f: {  	vm6 =	vlt.f32 v3, v0;
	vm10 =	vgt.f32 v5, $0.0e+00;
	vm11 =	vlt.f32 v5, v0  }
0x20: {  	v1 =	vld [tilespmem:$0x30];
	vm12 =	vgt.f32 v7, $0.0e+00;
	vm13 =	vlt.f32 v7, v0;
	vm14 =	vgt.f32 v9, $0.0e+00  }
0x21: {  	v15 =	vld [tilespmem:$0x90];
	vm0 =	vmand vm0, vm1;
	vm4 =	vmand vm15, vm2;
	vm7 =	vmand vm5, vm6  }
0x22: {  	vm15 =	vlt.f32 v9, v0;
	vm5 =	vlt.f32 v11, v0;
	vm6 =	vgt.f32 v13, $0.0e+00  }
0x23: {  	v17 =	vld [tilespmem:$0xA0];
	v2 =	vnsel vm0, $0x40000000, v4;
	v3 =	vnsel vm4, $0x40000000, v6;
	v6 =	vnsel vm7, $0x40000000, v37  }
0x24: {  	v19 =	vld [tilespmem:$0xB0];
	vm4 =	vgt.f32 v11, $0.0e+00;
	vm7 =	vlt.f32 v13, v0;
	v4 =	vor.u32 $0xF0, v4  }
0x25: {  	vm8 =	vgt.f32 v1, $0.0e+00;
	vm9 =	vlt.f32 v1, v0;
	v1 =	vmin.u32 v2, v3  }
0x26: {  	v21 =	vld [tilespmem:$0xC0];
	vm0 =	vmand vm8, vm9;
	v38 =	vmin.u32 v1, v6;
	vm8 =	vgt.f32 v15, $0.0e+00  }
0x27: {  	vm9 =	vlt.f32 v15, v0;
	v8 =	vnsel vm0, $0x40000000, v8;
	vm0 =	vmand vm10, vm11  }
0x28: {  	v23 =	vld [tilespmem:$0xD0];
	vm10 =	vgt.f32 v17, $0.0e+00;
	vm11 =	vlt.f32 v17, v0;
	v10 =	vnsel vm0, $0x40000000, v10  }
0x29: {  	v25 =	vld [tilespmem:$0xE0];
	v39 =	vmin.u32 v38, v8;
	vm0 =	vmand vm12, vm13;
	vm12 =	vgt.f32 v19, $0.0e+00  }
0x2a: {  	vm13 =	vlt.f32 v19, v0;
	v12 =	vnsel vm0, $0x40000000, v12;
	v40 =	vmin.u32 v39, v10  }
0x2b: {  	v27 =	vld [tilespmem:$0xF0];
	vm0 =	vmand vm14, vm15;
	vm14 =	vgt.f32 v21, $0.0e+00;
	vm15 =	vlt.f32 v21, v0  }
0x2c: {  	v14 =	vnsel vm0, $0x40000000, v14;
	v41 =	vmin.u32 v40, v12;
	vm0 =	vmand vm4, vm5  }
0x2d: {  	vm4 =	vgt.f32 v23, $0.0e+00;
	vm5 =	vlt.f32 v23, v0;
	v16 =	vnsel vm0, $0x40000000, v16  }
0x2e: {  	v42 =	vmin.u32 v41, v14;
	vm0 =	vmand vm6, vm7;
	vm6 =	vgt.f32 v25, $0.0e+00  }
0x2f: {  	vm7 =	vlt.f32 v25, v0;
	v18 =	vnsel vm0, $0x40000000, v18;
	v43 =	vmin.u32 v42, v16  }
0x30: {  	vm0 =	vmand vm8, vm9;
	vm8 =	vgt.f32 v27, $0.0e+00;
	vm9 =	vlt.f32 v27, v0  }
0x31: {  	v20 =	vnsel vm0, $0x40000000, v20;
	v44 =	vmin.u32 v43, v18;
	vm0 =	vmand vm10, vm11  }
0x32: {  	v22 =	vnsel vm0, $0x40000000, v22;
	v45 =	vmin.u32 v44, v20;
	vm0 =	vmand vm12, vm13  }
0x33: {  	v24 =	vnsel vm0, $0x40000000, v24;
	v46 =	vmin.u32 v45, v22;
	vm0 =	vmand vm14, vm15  }
0x34: {  	v26 =	vnsel vm0, $0x40000000, v26;
	v47 =	vmin.u32 v46, v24;
	vm0 =	vmand vm4, vm5  }
0x35: {  	v28 =	vnsel vm0, $0x40000000, v28;
	v48 =	vmin.u32 v47, v26;
	vm0 =	vmand vm6, vm7  }
0x36: {  	v29 =	vnsel vm0, $0x40000000, v29;
	v49 =	vmin.u32 v48, v28;
	vm0 =	vmand vm8, vm9  }
0x37: {  	v30 =	vmin.u32 v49, v29;
	v4 =	vnsel vm0, $0x40000000, v4  }
0x38: {  	v31 =	vmin.u32 v30, v4  }
0x39: {  	[tilespmem:$0x8280] =	vst v31  }
0x3a: {  	v32 =	vld [tilespmem:$0x8288];
	_ =	sdelay $0x4  }
0x3b: {  	vm10 =	vlt.s32 v31, v32  }
0x3c: {  	v32 =	vsel vm10, v31, v32  }
0x3d: {  	[tilespmem:$0x8280] =	vst v32  }
0x3e: {  	v33 =	vld [tilespmem:$0x8284];
	_ =	sdelay $0x4  }
0x3f: {  	vm0 =	vlt.s32 v32, v33  }
0x40: {  	v32 =	vsel vm0, v32, v33  }
0x41: {  	[tilespmem:$0x8280] =	vst v32  }
0x42: {  	v50 =	vld [tilespmem:$0x8282];
	_ =	sdelay $0x3  }
0x43: {  	v2 =	vmax.u32 v2, v3;
	v1 =	vmax.u32 v1, v6  }
0x44: {  	v3 =	vmin.u32 v2, v1;
	v5 =	vmax.u32 v38, v8;
	vm0 =	vlt.s32 v32, v50  }
0x45: {  	v51 =	vmin.u32 v3, v5;
	v7 =	vmax.u32 v39, v10;
	v52 =	vsel vm0, v32, v50  }
0x46: {  	v10 =	vmin.u32 v51, v7;
	v9 =	vmax.u32 v40, v12;
	[tilespmem:$0x8280] =	vst v52  }
0x47: {  	v12 =	vmin.u32 v10, v9;
	v11 =	vmax.u32 v41, v14;
	v53 =	vld [tilespmem:$0x8281]  }
0x48: {  	v54 =	vmin.u32 v12, v11;
	v13 =	vmax.u32 v42, v16  }
0x49: {  	v16 =	vmin.u32 v54, v13;
	v15 =	vmax.u32 v43, v18  }
0x4a: {  	v18 =	vmin.u32 v16, v15;
	v17 =	vmax.u32 v44, v20  }
0x4b: {  	v20 =	vmin.u32 v18, v17;
	v19 =	vmax.u32 v45, v22  }
0x4c: {  	v22 =	vmin.u32 v20, v19;
	v21 =	vmax.u32 v46, v24;
	vm0 =	vlt.s32 v52, v53  }
0x4d: {  	v24 =	vmin.u32 v22, v21;
	v23 =	vmax.u32 v47, v26;
	v8 =	vsel vm0, v52, v53  }
0x4e: {  	v55 =	vmin.u32 v24, v23;
	v25 =	vmax.u32 v48, v28;
	v56 =	vbroadcast v8, $0x0  }
0x4f: {  	v28 =	vmin.u32 v55, v25;
	v27 =	vmax.u32 v49, v29  }
0x50: {  	v29 =	vmin.u32 v28, v27;
	v4 =	vmax.u32 v30, v4;
	vm11 =	vgt.s32 v31, v56  }
0x51: {  	v57 =	vmin.u32 v29, v4;
	v58 =	vnsel vm11, $0x40000000, v31  }
0x52: {  	v30 =	vmin.u32 v58, v57  }
0x53: {  	[tilespmem:$0x8280] =	vst v30  }
0x54: {  	v59 =	vld [tilespmem:$0x8288];
	_ =	sdelay $0x4  }
0x55: {  	vm12 =	vlt.s32 v30, v59  }
0x56: {  	v30 =	vsel vm12, v30, v59  }
0x57: {  	[tilespmem:$0x8280] =	vst v30  }
0x58: {  	v60 =	vld [tilespmem:$0x8284];
	_ =	sdelay $0x4  }
0x59: {  	vm0 =	vlt.s32 v30, v60  }
0x5a: {  	v30 =	vsel vm0, v30, v60  }
0x5b: {  	[tilespmem:$0x8280] =	vst v30  }
0x5c: {  	v61 =	vld [tilespmem:$0x8282];
	_ =	sdelay $0x4  }
0x5d: {  	v1 =	vmax.u32 v2, v1;
	v2 =	vmax.u32 v3, v5;
	vm0 =	vlt.s32 v30, v61  }
0x5e: {  	v1 =	vmin.u32 v1, v2;
	v2 =	vmax.u32 v51, v7;
	v3 =	vsel vm0, v30, v61  }
0x5f: {  	v1 =	vmin.u32 v1, v2;
	v2 =	vmax.u32 v10, v9;
	[tilespmem:$0x8280] =	vst v3  }
0x60: {  	v1 =	vmin.u32 v1, v2;
	v2 =	vmax.u32 v12, v11;
	v62 =	vld [tilespmem:$0x8281]  }
0x61: {  	v1 =	vmin.u32 v1, v2;
	v2 =	vmax.u32 v54, v13  }
0x62: {  	v1 =	vmin.u32 v1, v2;
	v2 =	vmax.u32 v16, v15  }
0x63: {  	v1 =	vmin.u32 v1, v2;
	v2 =	vmax.u32 v18, v17  }
0x64: {  	v1 =	vmin.u32 v1, v2;
	v2 =	vmax.u32 v20, v19  }
0x65: {  	v1 =	vmin.u32 v1, v2;
	v2 =	vmax.u32 v22, v21;
	vm0 =	vlt.s32 v3, v62  }
0x66: {  	v1 =	vmin.u32 v1, v2;
	v2 =	vmax.u32 v24, v23;
	v3 =	vsel vm0, v3, v62  }
0x67: {  	v1 =	vmin.u32 v1, v2;
	v2 =	vmax.u32 v55, v25;
	v5 =	vbroadcast v3, $0x0  }
0x68: {  	v1 =	vmin.u32 v1, v2;
	v2 =	vmax.u32 v28, v27  }
0x69: {  	v1 =	vmin.u32 v1, v2;
	vm13 =	vgt.s32 v31, v5;
	vm14 =	vgt.s32 v57, v5  }
0x6a: {  	v2 =	vmax.u32 v29, v4;
	v63 =	vnsel vm13, $0x40000000, v31;
	v5 =	vnsel vm14, $0x40000000, v57  }
0x6b: {  	v1 =	vmin.u32 v1, v2;
	v2 =	vmin.u32 v63, v5  }
0x6c: {  	v1 =	vmin.u32 v1, v2  }
0x6d: {  	[tilespmem:$0x8280] =	vst v1  }
0x6e: {  	v2 =	vld [tilespmem:$0x8288];
	_ =	sdelay $0x4  }
0x6f: {  	vm15 =	vlt.s32 v1, v2  }
0x70: {  	v1 =	vsel vm15, v1, v2  }
0x71: {  	[tilespmem:$0x8280] =	vst v1  }
0x72: {  	v2 =	vld [tilespmem:$0x8284];
	_ =	sdelay $0x4  }
0x73: {  	vm0 =	vlt.s32 v1, v2  }
0x74: {  	v1 =	vsel vm0, v1, v2  }
0x75: {  	[tilespmem:$0x8280] =	vst v1  }
0x76: {  	v2 =	vld [tilespmem:$0x8282];
	_ =	sdelay $0x4  }
0x77: {  	vm0 =	vlt.s32 v1, v2  }
0x78: {  	v1 =	vsel vm0, v1, v2  }
0x79: {  	[tilespmem:$0x8280] =	vst v1  }
0x7a: {  	(v2sf) =	vpush v8, $0x0;
	v2 =	vld [tilespmem:$0x8281];
	_ =	sdelay $0x1  }
0x7b: {  	(v2sf) =	vpush v3, $0x0;
	_ =	sdelay $0x2  }
0x7c: {  	vm0 =	vlt.s32 v1, v2  }
0x7d: {  	v1 =	vsel vm0, v1, v2  }
0x7e: {  	(v2sf) =	vpush v1, $0x0;
	_ =	sdelay $0x7  }
0x7f: {  	s6 =	spop (v2sf)  }
0x80: {  	p1 =	slt.u32 s6, $0x40000000;
	s7 =	smov.u32 s6  }
0x81: {  	s7 =	simm.s32 @!p1 $0xFFFFFFFF;
	s9 =	spop (v2sf)  }
0x82: {  	p2 =	slt.s32 s9, $0x40000000;
	p3 =	sgt.s32 s9, s7  }
0x83: {  	p2 =	por !p2, !p3  }
0x84: {  	s11 =	simm.s32 $0x1;
	s10 =	smov.u32 s9;
	p2 =	por !p2, !p2  }
0x85: {  	s11 =	simm.s32 @!p1 $0x0;
	s10 =	simm.s32 @!p2 $0x0;
	s7 =	smov.u32 @p2 s9  }
0x86: {  	p5 =	por !p1, !p2;
	s10 =	smov.u32 @p1 s6;
	s8 =	spop (v2sf)  }
0x87: {  	s6 =	simm.s32 $0x1;
	p6 =	slt.s32 s8, $0x40000000;
	p4 =	sgt.s32 s8, s7  }
0x88: {  	p3 =	por !p5, !p5;
	s6 =	simm.s32 @!p2 $0x0;
	p4 =	por !p6, !p4  }
0x89: {  	s6 =	sadd.s32 s11, s6;
	s7 =	smov.u32 s10;
	p4 =	por !p4, !p4  }
0x8a: {  	s9 =	simm.s32 @!p3 $0x0;
	p5 =	seq.s32 s6, $0x0;
	s7 =	smov.u32 @p4 s8  }
0x8b: {  	s10 =	smov.u32 @p5 s7;
	p5 =	por !p2, !p2;
	s7 =	smov.u32 s9  }
0x8c: {  	p5 =	por @!p1 p2, p2;
	s7 =	smov.u32 @p4 s8  }
0x8d: {  	[smem:$0x1] =	sst s10;
	s8 =	simm.s32 @!p4 $0x0;
	s9 =	smov.u32 @p5 s7  }
0x8e: {  	s5 =	simm.s32 @!p4 $0x0;
	s8 =	simm.s32 @!p3 $0x0;
	[smem:$0x2] =	sst s9  }
0x8f: {  	s7 =	sadd.s32 s5, s6;
	[smem:$0x3] =	sst s8  }
0x90: {  	[smem:$0x0] =	sst s7  }
.LBB2_2:
0x91: {  	p1 =	sgt.u32 s7, $0x2  }
.Ltmp1:
0x92: {  	_ = 	snop;
	(pc) =	sbr.rel @p1 .LBB2_9-.Ltmp1, $1  }
0x93: {  	_ =	sdelay $0x3  }
.Ltmp2:
0x94: {  	(pc) =	sbr.rel .LBB2_4-.Ltmp2, $2  }
0x95: {  	_ =	sdelay $0x2  }
0x96: {  	s5 =	simm.s32 $0x100;
	s6 =	simm.s32 $0x2;
	v1 =	vlaneseq.u32  }
.LBB2_7:
0x97: {  	vm2 =	vgt.f32 v8, $0.0e+00;
	vm3 =	vlt.f32 v8, v0  }
0x98: {  	v50 =	vor.u32 s10, v1;
	vm2 =	vmand vm2, vm3  }
0x99: {  	v8 =	vnsel vm2, $0x40000000, v50  }
0x9a: {  	vm2 =	vgt.s32 v6, v8  }
0x9b: {  	v9 =	vsel vm2, v8, v6  }
0x9c: {  	[tilespmem:$0x8280] =	vst v9  }
0x9d: {  	v10 =	vld [tilespmem:$0x8288];
	_ =	sdelay $0x4  }
0x9e: {  	vm9 =	vlt.s32 v9, v10  }
0x9f: {  	v10 =	vsel vm9, v9, v10  }
0xa0: {  	[tilespmem:$0x8280] =	vst v10  }
0xa1: {  	v11 =	vld [tilespmem:$0x8284];
	_ =	sdelay $0x4  }
0xa2: {  	vm3 =	vlt.s32 v10, v11  }
0xa3: {  	v10 =	vsel vm3, v10, v11  }
0xa4: {  	[tilespmem:$0x8280] =	vst v10  }
0xa5: {  	v51 =	vld [tilespmem:$0x8282];
	_ =	sdelay $0x4  }
0xa6: {  	vm3 =	vlt.s32 v10, v51  }
0xa7: {  	v10 =	vsel vm3, v10, v51  }
0xa8: {  	[tilespmem:$0x8280] =	vst v10  }
0xa9: {  	v52 =	vld [tilespmem:$0x8281];
	_ =	sdelay $0x4  }
0xaa: {  	vm3 =	vlt.s32 v10, v52  }
0xab: {  	v12 =	vsel vm0, v5, v4;
	v2 =	vsel vm1, v7, v2;
	v53 =	vsel vm3, v10, v52  }
0xac: {  	vm1 =	vgt.s32 v12, v2;
	v10 =	vbroadcast v53, $0x0  }
0xad: {  	v54 =	vsel vm1, v2, v12;
	v55 =	vsel vm2, v6, v8  }
0xae: {  	vm2 =	vgt.s32 v54, v55;
	vm10 =	vgt.s32 v9, v10  }
0xaf: {  	v8 =	vsel vm2, v55, v54;
	v10 =	vnsel vm10, $0x40000000, v9  }
0xb0: {  	vm3 =	vlt.s32 v10, v8  }
0xb1: {  	v10 =	vsel vm3, v10, v8  }
0xb2: {  	[tilespmem:$0x8280] =	vst v10  }
0xb3: {  	v13 =	vld [tilespmem:$0x8288];
	_ =	sdelay $0x4  }
0xb4: {  	vm3 =	vlt.s32 v10, v13  }
0xb5: {  	v10 =	vsel vm3, v10, v13  }
0xb6: {  	[tilespmem:$0x8280] =	vst v10  }
0xb7: {  	v56 =	vld [tilespmem:$0x8284];
	_ =	sdelay $0x4  }
0xb8: {  	vm3 =	vlt.s32 v10, v56  }
0xb9: {  	v10 =	vsel vm3, v10, v56  }
0xba: {  	[tilespmem:$0x8280] =	vst v10  }
0xbb: {  	v57 =	vld [tilespmem:$0x8282];
	_ =	sdelay $0x4  }
0xbc: {  	vm3 =	vlt.s32 v10, v57  }
0xbd: {  	v10 =	vsel vm3, v10, v57  }
0xbe: {  	[tilespmem:$0x8280] =	vst v10  }
0xbf: {  	v58 =	vld [tilespmem:$0x8281];
	_ =	sdelay $0x4  }
0xc0: {  	v59 =	vsel vm0, v4, v5;
	vm11 =	vlt.s32 v10, v58  }
0xc1: {  	vm12 =	vlt.s32 v3, v59;
	v60 =	vsel vm11, v10, v58  }
0xc2: {  	v3 =	vsel vm12, v3, v59;
	v2 =	vsel vm1, v12, v2;
	v61 =	vbroadcast v60, $0x0  }
0xc3: {  	vm0 =	vlt.s32 v3, v2  }
0xc4: {  	v2 =	vsel vm0, v3, v2;
	vm13 =	vgt.s32 v9, v61;
	vm14 =	vgt.s32 v8, v61  }
0xc5: {  	v3 =	vsel vm2, v54, v55;
	v62 =	vnsel vm13, $0x40000000, v9;
	v63 =	vnsel vm14, $0x40000000, v8  }
0xc6: {  	vm15 =	vlt.s32 v2, v3;
	vm1 =	vlt.s32 v62, v63  }
0xc7: {  	v2 =	vsel vm15, v2, v3;
	v3 =	vsel vm1, v62, v63  }
0xc8: {  	vm0 =	vlt.s32 v3, v2  }
0xc9: {  	v2 =	vsel vm0, v3, v2  }
0xca: {  	[tilespmem:$0x8280] =	vst v2  }
0xcb: {  	v3 =	vld [tilespmem:$0x8288];
	_ =	sdelay $0x4  }
0xcc: {  	vm0 =	vlt.s32 v2, v3  }
0xcd: {  	v2 =	vsel vm0, v2, v3  }
0xce: {  	[tilespmem:$0x8280] =	vst v2  }
0xcf: {  	v3 =	vld [tilespmem:$0x8284];
	_ =	sdelay $0x4  }
0xd0: {  	vm0 =	vlt.s32 v2, v3  }
0xd1: {  	(v2sf) =	vpush v53, $0x0;
	v2 =	vsel vm0, v2, v3  }
0xd2: {  	[tilespmem:$0x8280] =	vst v2  }
0xd3: {  	v3 =	vld [tilespmem:$0x8282];
	_ =	sdelay $0x4  }
0xd4: {  	vm0 =	vlt.s32 v2, v3  }
0xd5: {  	v2 =	vsel vm0, v2, v3  }
0xd6: {  	s8 =	sld [smem:$0x3];
	(v2sf) =	vpush v60, $0x0;
	[tilespmem:$0x8280] =	vst v2  }
0xd7: {  	s9 =	sld [smem:$0x2];
	v3 =	vld [tilespmem:$0x8281]  }
0xd8: {  	s10 =	sld [smem:$0x1]  }
0xd9: {  	p1 =	seq.s32 s7, $0x2;
	s11 =	smov.u32 s8  }
0xda: {  	p2 =	seq.s32 s7, $0x1;
	s11 =	smov.u32 @p1 s9  }
0xdb: {  	p3 =	seq.s32 s7, $0x0;
	s11 =	smov.u32 @p2 s10  }
0xdc: {  	s11 =	simm.s32 @p3 $0xFFFFFFFF;
	s12 =	spop (v2sf);
	vm0 =	vlt.s32 v2, v3  }
0xdd: {  	p4 =	slt.s32 s12, $0x40000000;
	p5 =	sgt.s32 s12, s11;
	v2 =	vsel vm0, v2, v3  }
0xde: {  	p4 =	por !p4, !p5;
	(v2sf) =	vpush v2, $0x0  }
0xdf: {  	s14 =	smov.u32 s10;
	p4 =	por !p4, !p4  }
0xe0: {  	s15 =	smov.u32 s9;
	s14 =	smov.u32 @p4 s12  }
0xe1: {  	s15 =	smov.u32 @p4 s12;
	s10 =	smov.u32 @p3 s14  }
0xe2: {  	s9 =	smov.u32 @p2 s15;
	s14 =	smov.u32 s8;
	s15 =	simm.s32 $0x1  }
0xe3: {  	s11 =	smov.u32 @p4 s12;
	s14 =	smov.u32 @p4 s12;
	s15 =	simm.s32 @!p4 $0x0  }
0xe4: {  	s31 =	sadd.s32 s15, s7;
	s8 =	smov.u32 @p1 s14;
	s14 =	smov.u32 s10  }
0xe5: {  	s15 =	smov.u32 s9;
	p2 =	seq.s32 s31, $0x0;
	s13 =	spop (v2sf)  }
0xe6: {  	p6 =	slt.s32 s31, $0x3;
	p3 =	slt.s32 s13, $0x40000000;
	p4 =	sgt.s32 s13, s11  }
0xe7: {  	s14 =	smov.u32 @p2 s13;
	p2 =	seq.s32 s31, $0x1;
	p5 =	por !p3, !p4  }
0xe8: {  	s15 =	smov.u32 @p2 s13;
	p3 =	seq.s32 s31, $0x2;
	p1 =	por !p5, !p5  }
0xe9: {  	s10 =	smov.u32 @p1 s14;
	s9 =	smov.u32 @p1 s15;
	p2 =	por !p1, !p6  }
0xea: {  	s14 =	smov.u32 s8;
	s15 =	simm.s32 $0x1;
	p2 =	por !p2, !p2  }
0xeb: {  	s14 =	smov.u32 @p3 s13;
	s15 =	simm.s32 @!p2 $0x0  }
0xec: {  	s11 =	smov.u32 @p2 s13;
	s8 =	smov.u32 @p1 s14;
	s7 =	sadd.s32 s15, s31  }
0xed: {  	s13 =	smov.u32 s9;
	p2 =	seq.s32 s7, $0x0;
	s12 =	spop (v2sf)  }
0xee: {  	p3 =	slt.s32 s12, $0x40000000;
	p4 =	sgt.s32 s12, s11;
	s11 =	smov.u32 s10  }
0xef: {  	p5 =	por !p3, !p4;
	s11 =	smov.u32 @p2 s12;
	p2 =	seq.s32 s7, $0x1  }
0xf0: {  	p6 =	slt.s32 s7, $0x3;
	p1 =	por !p5, !p5;
	s13 =	smov.u32 @p2 s12  }
0xf1: {  	p3 =	seq.s32 s7, $0x2;
	s10 =	smov.u32 @p1 s11;
	s9 =	smov.u32 @p1 s13  }
0xf2: {  	s11 =	smov.u32 s8;
	p2 =	por !p1, !p6;
	[smem:$0x1] =	sst s10  }
0xf3: {  	s11 =	smov.u32 @p3 s12;
	p2 =	por !p2, !p2;
	s12 =	simm.s32 $0x1  }
0xf4: {  	[smem:$0x2] =	sst s9;
	s8 =	smov.u32 @p1 s11;
	s12 =	simm.s32 @!p2 $0x0  }
0xf5: {  	[smem:$0x3] =	sst s8;
	s7 =	sadd.s32 s12, s7  }
0xf6: {  	[smem:$0x0] =	sst s7  }
.LBB2_8:
0xf7: {  	s4 =	sadd.s32 $0x1, s4  }
0xf8: {  	p1 =	sne.s32 s4, $0x100  }
.Ltmp3:
0xf9: {  	_ = 	snop;
	(pc) =	sbr.rel @!p1 .LBB2_9-.Ltmp3, $1  }
0xfa: {  	_ =	sdelay $0x3  }
.LBB2_4:
0xfb: {  	p1 =	sgt.s32 s7, $0x2  }
.Ltmp4:
0xfc: {  	_ = 	snop;
	(pc) =	sbr.rel @p1 .LBB2_8-.Ltmp4, $1  }
0xfd: {  	_ =	sdelay $0x3  }
0xfe: {  	s9 =	sshrl.u32 s4, $0x4  }
0xff: {  	s8 =	sshll.u32 s4, $0x5;
	s12 =	simm.s32 $0x0;
	s13 =	simm.s32 $0x0  }
0x100: {  	s8 =	sand.u32 $0x1E0, s8;
	s10 =	sshll.u32 s9, $0x10;
	s9 =	sshll.u32 s9, $0x13  }
0x101: {  	s11 =	sshll.u32 s8, $0x7;
	s10 =	sadd.s32 s3, s10;
	[dreg:$0x5] =	wrdreg s9  }
0x102: {  	s9 =	sand.u32 $0x6000, s13;
	s11 =	sadd.s32 s11, s10;
	s10 =	sand.u32 $0x300, s12  }
0x103: {  	[tilespmem:s5], [sflag:$0x2] =	stream.linear.gather [hbm4b:s11+s12], $0x8000, $0x38;
	[tilespmem:$0x8380] =	vst v63  }
0x104: {  	s14 =	sshll.u32 s10, $0x3;
	s12 =	simm.s32 $0x0;
	_ =	swait.ge [sflag:s6], $0x8000  }
0x105: {  	s9 =	sor.u32 s14, s9;
	s15 =	sand.u32 $0x380, s12;
	[sflag:s6] =	ssyncset.done $0x0  }
0x106: {  	s9 =	sor.u32 s9, s15;
	[sflag:s6] =	ssyncadd.s32 $0xFFFF8000  }
0x107: {  	v2 =	vld [tilespmem:s9+$0x530]  }
0x108: {  	v3 =	vld [tilespmem:s9+$0x520]  }
0x109: {  	s17 =	sadd.s32 $0x0, s8;
	v4 =	vld [tilespmem:s9+$0x510]  }
0x10a: {  	s12 =	sshll.u32 s17, $0xA;
	s16 =	rddreg [dreg:$0x5];
	v5 =	vld [tilespmem:s9+$0x170]  }
0x10b: {  	s11 =	sadd.s32 s16, s12;
	v6 =	vld [tilespmem:s9+$0x150]  }
0x10c: {  	v7 =	vld [tilespmem:s9+$0x120];
	s10 =	sor.u32 s10, s11  }
0x10d: {  	v8 =	vld [tilespmem:s9+$0x110];
	s22 =	sor.u32 $0x40, s10  }
0x10e: {  	v9 =	vimm.s32 $0x40000000;
	v10 =	vor.u32 s10, v1;
	s26 =	sor.u32 $0x80, s10;
	s28 =	sor.u32 $0xA0, s10;
	v13 =	vor.u32 s22, v1  }
0x10f: {  	v54 =	vor.u32 s26, v1;
	v55 =	vor.u32 s28, v1;
	vm0 =	vgt.f32 v2, $0.0e+00  }
0x110: {  	s11 =	sor.u32 $0x10, s10;
	vm4 =	vlt.f32 v2, v0;
	vm2 =	vgt.f32 v4, $0.0e+00;
	vm3 =	vlt.f32 v4, v0  }
0x111: {  	vm1 =	vgt.f32 v3, $0.0e+00;
	v4 =	vor.u32 s11, v1;
	vm5 =	vlt.f32 v5, v0  }
0x112: {  	v2 =	vld [tilespmem:s9+$0x140];
	vm6 =	vgt.f32 v6, $0.0e+00;
	vm7 =	vgt.f32 v7, $0.0e+00;
	vm8 =	vgt.f32 v8, $0.0e+00  }
0x113: {  	vm9 =	vlt.f32 v8, v0;
	v8 =	vld [tilespmem:s9+$0x130];
	vm13 =	vlt.f32 v6, v0;
	vm2 =	vmand vm2, vm3  }
0x114: {  	vm3 =	vgt.f32 v5, $0.0e+00;
	v5 =	vld [tilespmem:s9+$0x100];
	vm15 =	vmand vm8, vm9;
	vm0 =	vmand vm0, vm4  }
0x115: {  	s19 =	sor.u32 $0x20, s10;
	vm9 =	vlt.f32 v3, v0;
	vm10 =	vmand vm3, vm5;
	vm3 =	vlt.f32 v7, v0  }
0x116: {  	vm1 =	vmand vm1, vm9;
	v7 =	vor.u32 s19, v1;
	vm7 =	vmand vm7, vm3  }
0x117: {  	vm5 =	vmand vm6, vm13;
	v57 =	vnsel vm1, $0x40000000, v55;
	v7 =	vnsel vm7, $0x40000000, v7  }
0x118: {  	vm12 =	vgt.f32 v2, $0.0e+00;
	vm3 =	vlt.f32 v2, v0;
	v2 =	vnsel vm15, $0x40000000, v4  }
0x119: {  	v14 =	vld [tilespmem:s9+$0x500];
	s18 =	sor.u32 $0x70, s10;
	vm13 =	vgt.f32 v8, $0.0e+00;
	vm14 =	vgt.f32 v5, $0.0e+00;
	vm15 =	vlt.f32 v5, v0  }
0x11a: {  	v4 =	vor.u32 s18, v1;
	vm3 =	vmand vm12, vm3;
	vm12 =	vmand vm14, vm15  }
0x11b: {  	s20 =	sor.u32 $0x90, s10;
	v4 =	vnsel vm10, $0x40000000, v4;
	v5 =	vld [tilespmem:s9+$0x550];
	vm14 =	vlt.f32 v8, v0;
	v3 =	vnsel vm12, $0x40000000, v10  }
0x11c: {  	v8 =	vor.u32 s20, v1;
	v13 =	vnsel vm3, $0x40000000, v13;
	v10 =	vld [tilespmem:s9+$0x160];
	vm15 =	vgt.s32 v9, v3  }
0x11d: {  	vm4 =	vmand vm13, vm14;
	v8 =	vnsel vm2, $0x40000000, v8;
	v6 =	vsel vm15, v3, v9  }
0x11e: {  	vm13 =	vgt.f32 v14, $0.0e+00;
	v3 =	vsel vm15, v9, v3;
	vm2 =	vgt.s32 v6, v2  }
0x11f: {  	s21 =	sor.u32 $0x50, s10;
	v11 =	vsel vm2, v2, v6;
	v2 =	vsel vm2, v6, v2;
	vm2 =	vgt.s32 v9, v3  }
0x120: {  	v6 =	vor.u32 s21, v1;
	v12 =	vsel vm2, v3, v9;
	v3 =	vsel vm2, v9, v3  }
0x121: {  	vm2 =	vlt.f32 v5, v0;
	vm3 =	vgt.s32 v11, v7;
	vm11 =	vlt.f32 v10, v0  }
0x122: {  	v15 =	vsel vm3, v11, v7;
	v7 =	vsel vm3, v7, v11;
	vm3 =	vlt.s32 v9, v3  }
0x123: {  	s23 =	sor.u32 $0x30, s10;
	vm10 =	vgt.s32 v12, v2;
	v3 =	vsel vm3, v9, v3;
	vm3 =	vgt.f32 v10, $0.0e+00  }
0x124: {  	v9 =	vsel vm10, v2, v12;
	v2 =	vsel vm10, v12, v2;
	v10 =	vor.u32 s23, v1  }
0x125: {  	s24 =	sor.u32 $0x60, s10;
	v10 =	vnsel vm4, $0x40000000, v10;
	vm3 =	vmand vm3, vm11;
	vm12 =	vlt.s32 v3, v2  }
0x126: {  	vm14 =	vgt.s32 v9, v15;
	v2 =	vsel vm12, v3, v2;
	v3 =	vor.u32 s24, v1  }
0x127: {  	v11 =	vsel vm14, v15, v9;
	v9 =	vsel vm14, v9, v15;
	vm15 =	vgt.s32 v7, v10  }
0x128: {  	s25 =	sor.u32 $0xD0, s10;
	v3 =	vnsel vm3, $0x40000000, v3;
	vm3 =	vgt.f32 v5, $0.0e+00;
	v53 =	vsel vm15, v7, v10  }
0x129: {  	v5 =	vld [tilespmem:s9+$0x540];
	v7 =	vsel vm15, v10, v7;
	v10 =	vor.u32 s25, v1;
	vm2 =	vmand vm3, vm2  }
0x12a: {  	vm3 =	vlt.f32 v14, v0;
	v10 =	vnsel vm2, $0x40000000, v10;
	vm2 =	vgt.s32 v11, v53  }
0x12b: {  	vm3 =	vmand vm13, vm3;
	v16 =	vsel vm2, v53, v11;
	v11 =	vsel vm2, v11, v53  }
0x12c: {  	vm2 =	vlt.s32 v2, v9;
	v56 =	vnsel vm3, $0x40000000, v54;
	vm3 =	vgt.s32 v7, v13  }
0x12d: {  	v6 =	vnsel vm5, $0x40000000, v6;
	v2 =	vsel vm2, v2, v9;
	v9 =	vsel vm3, v13, v7  }
0x12e: {  	v7 =	vsel vm3, v7, v13;
	vm2 =	vgt.f32 v5, $0.0e+00;
	vm3 =	vlt.s32 v2, v11  }
0x12f: {  	vm1 =	vgt.s32 v16, v7;
	v2 =	vsel vm3, v2, v11;
	vm3 =	vgt.s32 v9, v6  }
0x130: {  	s30 =	sor.u32 $0xC0, s10;
	v11 =	vsel vm1, v7, v16;
	v7 =	vsel vm1, v16, v7;
	vm1 =	vlt.f32 v5, v0  }
0x131: {  	v62 =	vor.u32 s30, v1;
	v58 =	vsel vm3, v6, v9;
	vm1 =	vmand vm2, vm1  }
0x132: {  	v5 =	vsel vm3, v9, v6;
	vm3 =	vgt.s32 v58, v3;
	v14 =	vnsel vm1, $0x40000000, v62  }
0x133: {  	v6 =	vsel vm3, v3, v58;
	v3 =	vsel vm3, v58, v3;
	vm3 =	vgt.s32 v11, v5  }
0x134: {  	v9 =	vld [tilespmem:s9+$0x560];
	v59 =	vsel vm3, v5, v11;
	v5 =	vsel vm3, v11, v5;
	vm3 =	vgt.s32 v6, v4  }
0x135: {  	s29 =	sor.u32 $0xB0, s10;
	v11 =	vsel vm3, v4, v6;
	v4 =	vsel vm3, v6, v4;
	vm3 =	vgt.s32 v59, v3  }
0x136: {  	v6 =	vor.u32 s29, v1;
	v60 =	vsel vm3, v3, v59;
	v3 =	vsel vm3, v59, v3  }
0x137: {  	vm3 =	vlt.s32 v2, v7;
	v6 =	vnsel vm0, $0x40000000, v6;
	vm0 =	vgt.s32 v11, v56  }
0x138: {  	v2 =	vsel vm3, v2, v7;
	vm3 =	vgt.s32 v60, v4;
	v7 =	vsel vm0, v56, v11  }
0x139: {  	v11 =	vsel vm0, v11, v56;
	vm0 =	vgt.f32 v9, $0.0e+00;
	v61 =	vsel vm3, v4, v60  }
0x13a: {  	vm2 =	vgt.s32 v7, v8;
	v4 =	vsel vm3, v60, v4;
	vm3 =	vlt.s32 v2, v5  }
0x13b: {  	s31 =	sor.u32 $0xE0, s10;
	vm1 =	vgt.s32 v61, v11;
	v2 =	vsel vm3, v2, v5;
	v5 =	vsel vm2, v7, v8  }
0x13c: {  	v7 =	vsel vm2, v8, v7;
	v8 =	vor.u32 s31, v1;
	v63 =	vsel vm1, v11, v61  }
0x13d: {  	v11 =	vsel vm1, v61, v11;
	vm1 =	vlt.f32 v9, v0;
	vm3 =	vlt.s32 v2, v3  }
0x13e: {  	vm0 =	vmand vm0, vm1;
	vm1 =	vgt.s32 v63, v5;
	v2 =	vsel vm3, v2, v3  }
0x13f: {  	v3 =	vsel vm1, v5, v63;
	v5 =	vsel vm1, v63, v5;
	vm1 =	vlt.s32 v2, v4  }
0x140: {  	v4 =	vsel vm1, v2, v4;
	vm1 =	vgt.s32 v7, v57;
	v2 =	vnsel vm0, $0x40000000, v8  }
0x141: {  	vm0 =	vlt.s32 v4, v11;
	v8 =	vsel vm1, v57, v7;
	v7 =	vsel vm1, v7, v57  }
0x142: {  	v4 =	vsel vm0, v4, v11;
	vm0 =	vgt.s32 v3, v7;
	vm1 =	vgt.s32 v8, v6  }
0x143: {  	vm2 =	vlt.s32 v4, v5;
	v9 =	vsel vm1, v6, v8;
	v6 =	vsel vm1, v8, v6  }
0x144: {  	v4 =	vsel vm2, v4, v5;
	v5 =	vsel vm0, v3, v7;
	v3 =	vsel vm0, v7, v3  }
0x145: {  	vm0 =	vgt.s32 v9, v14;
	vm1 =	vlt.s32 v4, v5;
	vm2 =	vgt.s32 v3, v6  }
0x146: {  	v8 =	vsel vm0, v9, v14;
	v4 =	vsel vm1, v4, v5;
	v7 =	vsel vm2, v3, v6  }
0x147: {  	v5 =	vsel vm0, v14, v9;
	v3 =	vsel vm2, v6, v3;
	vm0 =	vlt.s32 v4, v7  }
0x148: {  	v6 =	vsel vm0, v4, v7;
	vm0 =	vgt.s32 v3, v8  }
0x149: {  	v4 =	vsel vm0, v8, v3;
	v3 =	vsel vm0, v3, v8;
	v8 =	vld [tilespmem:s9+$0x570]  }
0x14a: {  	vm1 =	vgt.s32 v5, v10  }
0x14b: {  	v7 =	vsel vm1, v10, v5  }
0x14c: {  	v5 =	vsel vm1, v5, v10;
	vm1 =	vgt.s32 v7, v2;
	vm0 =	vlt.s32 v6, v3  }
0x14d: {  	s13 =	simm.s32 $0x1;
	s10 =	sor.u32 $0xF0, s10;
	s9 =	simm.s32 $0x100;
	v3 =	vsel vm0, v6, v3;
	vm0 =	vgt.s32 v4, v5;
	v6 =	vsel vm1, v2, v7  }
.LBB2_6:
0x14e: {  	s14 =	sand.u32 $0x300, s9;
	vm2 =	vgt.f32 v8, $0.0e+00;
	vm3 =	vlt.f32 v8, v0;
	s15 =	smov.u32 s13  }
0x14f: {  	s11 =	sshll.u32 s13, $0x8;
	v8 =	vor.u32 s10, v1;
	s17 =	sshll.u32 s13, $0x5;
	v9 =	vsel vm0, v5, v4;
	v4 =	vsel vm0, v4, v5;
	s15 =	sshrl.u32 s13, $0x2  }
0x150: {  	v5 =	vsel vm1, v7, v2;
	s11 =	sand.u32 $0x6000, s11;
	s16 =	sshll.u32 s14, $0x3;
	vm2 =	vmand vm2, vm3;
	vm0 =	vlt.s32 v3, v4;
	s15 =	sadd.s32 s8, s15  }
0x151: {  	vm1 =	vgt.s32 v9, v5;
	s16 =	sor.u32 s16, s11;
	v8 =	vnsel vm2, $0x40000000, v8;
	v3 =	vsel vm0, v3, v4;
	s10 =	sshll.u32 s15, $0xA;
	s15 =	sand.u32 $0x380, s17  }
0x152: {  	v4 =	vsel vm1, v5, v9;
	v5 =	vsel vm1, v9, v5;
	vm2 =	vgt.s32 v6, v8;
	s18 =	sor.u32 s16, s15  }
0x153: {  	s12 =	rddreg [dreg:$0x5];
	vm0 =	vlt.s32 v3, v5;
	v9 =	vsel vm2, v8, v6;
	v6 =	vsel vm2, v6, v8;
	v2 =	vld [tilespmem:s18+$0x550]  }
0x154: {  	s10 =	sadd.s32 s12, s10;
	v5 =	vsel vm0, v3, v5;
	v7 =	vld [tilespmem:s18+$0x530];
	vm0 =	vgt.s32 v4, v6  }
0x155: {  	v13 =	vimm.s32 $0x0;
	s19 =	sor.u32 s14, s10;
	v8 =	vld [tilespmem:s18+$0x520];
	v11 =	vsel vm0, v6, v4;
	v4 =	vsel vm0, v4, v6  }
0x156: {  	v19 =	vimm.s32 $0x0;
	v10 =	vld [tilespmem:s18+$0x510];
	s20 =	sor.u32 $0x20, s19;
	s21 =	sor.u32 $0x80, s19;
	v39 =	vor.u32 s19, v1;
	s17 =	sor.u32 $0x10, s19;
	vm1 =	vlt.s32 v5, v4  }
0x157: {  	v12 =	vld [tilespmem:s18+$0x170];
	s24 =	sor.u32 $0x40, s19;
	s26 =	sor.u32 $0x60, s19;
	s28 =	sor.u32 $0x70, s19;
	v3 =	vor.u32 s21, v1;
	v15 =	vor.u32 s17, v1;
	v40 =	vor.u32 s20, v1  }
0x158: {  	v14 =	vld [tilespmem:s18+$0x160];
	s29 =	sor.u32 $0x90, s19;
	s30 =	sor.u32 $0xB0, s19;
	s31 =	sor.u32 $0xC0, s19;
	v18 =	vor.u32 s24, v1;
	v42 =	vor.u32 s26, v1;
	v43 =	vor.u32 s28, v1  }
0x159: {  	v16 =	vld [tilespmem:s18+$0x140];
	v45 =	vor.u32 s29, v1;
	v57 =	vor.u32 s30, v1;
	v62 =	vor.u32 s31, v1  }
0x15a: {  	v6 =	vld [tilespmem:s18+$0x500];
	v5 =	vsel vm1, v5, v4;
	v4 =	vimm.s32 $0x0;
	vm0 =	vlt.f32 v2, v0  }
0x15b: {  	v17 =	vld [tilespmem:s18+$0x110];
	s22 =	sor.u32 $0xD0, s19;
	vm7 =	vgt.f32 v7, $0.0e+00;
	vm6 =	vlt.f32 v7, v0;
	vm8 =	vgt.f32 v8, $0.0e+00  }
0x15c: {  	vm9 =	vlt.f32 v8, v0;
	v8 =	vor.u32 s22, v1;
	vm4 =	vgt.f32 v10, $0.0e+00  }
0x15d: {  	vm5 =	vlt.f32 v10, v0;
	vm11 =	vgt.f32 v12, $0.0e+00;
	vm12 =	vlt.f32 v12, v0  }
0x15e: {  	v20 =	vld [tilespmem:s18+$0x540];
	vm14 =	vgt.f32 v16, $0.0e+00;
	vm15 =	vlt.f32 v16, v0;
	v13 =	vsel vm0, $0xFFFFFFFF, v13  }
0x15f: {  	v7 =	vld [tilespmem:s18+$0x150];
	vm0 =	vgt.f32 v6, $0.0e+00;
	vm10 =	vmand vm4, vm5;
	vm4 =	vlt.f32 v14, v0  }
0x160: {  	v10 =	vld [tilespmem:s18+$0x120];
	vm3 =	vmand vm11, vm12;
	vm11 =	vgt.f32 v17, $0.0e+00;
	vm8 =	vmand vm8, vm9  }
0x161: {  	v4 =	vsel vm0, $0xFFFFFFFF, v4;
	vm0 =	vlt.f32 v6, v0;
	v6 =	vimm.s32 $0x0  }
0x162: {  	v41 =	vld [tilespmem:s18+$0x130];
	s23 =	sor.u32 $0xA0, s19;
	v44 =	vnsel vm3, $0x40000000, v43;
	v6 =	vsel vm0, $0xFFFFFFFF, v6;
	vm0 =	vgt.f32 v14, $0.0e+00  }
0x163: {  	vm3 =	vlt.f32 v20, v0;
	[tilespmem:$0x1FFE0] =	vst v4;
	v4 =	vor.u32 s23, v1;
	v19 =	vsel vm0, $0xFFFFFFFF, v19  }
0x164: {  	s14 =	sor.u32 $0x30, s19;
	[tilespmem:$0x1FFF0] =	vst v6;
	v6 =	vld [tilespmem:s18+$0x100];
	vm0 =	vlt.f32 v17, v0;
	v4 =	vnsel vm8, $0x40000000, v4;
	vm5 =	vgt.f32 v7, $0.0e+00  }
0x165: {  	s25 =	sor.u32 $0x50, s19;
	vm13 =	vlt.f32 v7, v0;
	v7 =	vor.u32 s14, v1;
	vm2 =	vgt.f32 v10, $0.0e+00  }
0x166: {  	vm1 =	vlt.f32 v10, v0;
	v10 =	vor.u32 s25, v1;
	vm0 =	vmand vm11, vm0  }
0x167: {  	vm11 =	vmand vm14, vm15;
	vm2 =	vmand vm2, vm1;
	vm1 =	vgt.f32 v41, $0.0e+00  }
0x168: {  	v15 =	vnsel vm0, $0x40000000, v15;
	vm0 =	vlt.f32 v41, v0;
	vm13 =	vmand vm5, vm13  }
0x169: {  	vm5 =	vmand vm7, vm6;
	vm12 =	vgt.f32 v6, $0.0e+00;
	vm14 =	vlt.f32 v6, v0  }
0x16a: {  	v18 =	vnsel vm11, $0x40000000, v18;
	v12 =	vnsel vm2, $0x40000000, v40;
	vm6 =	vmand vm12, vm14  }
0x16b: {  	v10 =	vnsel vm13, $0x40000000, v10;
	v60 =	vnsel vm5, $0x40000000, v57;
	v6 =	vnsel vm6, $0x40000000, v39  }
0x16c: {  	[tilespmem:$0x1FFD0] =	vst v13;
	vm12 =	vmand vm1, vm0;
	vm1 =	vgt.f32 v20, $0.0e+00;
	vm0 =	vgt.s32 v9, v6  }
0x16d: {  	v53 =	vld [tilespmem:$0x1FFD0];
	[tilespmem:$0x1FFC0] =	vst v19;
	v7 =	vnsel vm12, $0x40000000, v7;
	v46 =	vsel vm0, v6, v9;
	v6 =	vsel vm0, v9, v6  }
0x16e: {  	v51 =	vld [tilespmem:$0x1FFC0];
	v9 =	vnsel vm10, $0x40000000, v45;
	vm0 =	vgt.s32 v11, v6;
	vm10 =	vgt.s32 v46, v15  }
0x16f: {  	v47 =	vsel vm0, v6, v11;
	v48 =	vsel vm10, v15, v46;
	v15 =	vsel vm10, v46, v15  }
0x170: {  	vm1 =	vmand vm1, vm3;
	v6 =	vsel vm0, v11, v6;
	vm0 =	vgt.s32 v47, v15  }
0x171: {  	v54 =	vld [tilespmem:$0x1FFE0];
	vm2 =	vgt.s32 v48, v12;
	vm13 =	vlt.s32 v5, v6;
	v17 =	vsel vm0, v15, v47  }
0x172: {  	v55 =	vld [tilespmem:$0x1FFF0];
	v49 =	vsel vm2, v48, v12;
	v12 =	vsel vm2, v12, v48;
	v5 =	vsel vm13, v5, v6  }
0x173: {  	v11 =	vld [tilespmem:s18+$0x560];
	v6 =	vsel vm0, v47, v15;
	vm0 =	vnez.u8 v51;
	vm13 =	vnez.u8 v53  }
0x174: {  	vm14 =	vgt.s32 v17, v49;
	vm0 =	vmand vm0, vm4;
	vm2 =	vlt.s32 v5, v6  }
0x175: {  	vm15 =	vgt.s32 v12, v7;
	v50 =	vsel vm14, v49, v17;
	v5 =	vsel vm2, v5, v6  }
0x176: {  	v6 =	vsel vm15, v12, v7;
	vm2 =	vgt.f32 v2, $0.0e+00;
	v2 =	vsel vm14, v17, v49  }
0x177: {  	v14 =	vnsel vm0, $0x40000000, v42;
	v7 =	vsel vm15, v7, v12;
	vm14 =	vnez.u8 v54  }
0x178: {  	vm15 =	vnez.u8 v55;
	vm6 =	vgt.f32 v11, $0.0e+00;
	vm12 =	vgt.s32 v50, v6  }
0x179: {  	vm0 =	vlt.s32 v5, v2;
	vm2 =	vmand vm2, vm13;
	vm4 =	vmand vm14, vm15  }
0x17a: {  	v52 =	vsel vm12, v6, v50;
	v56 =	vnsel vm2, $0x40000000, v8;
	v6 =	vsel vm12, v50, v6  }
0x17b: {  	vm2 =	vgt.s32 v7, v18;
	v3 =	vnsel vm4, $0x40000000, v3;
	v2 =	vsel vm0, v5, v2  }
0x17c: {  	v8 =	vsel vm2, v18, v7;
	v7 =	vsel vm2, v7, v18;
	vm12 =	vlt.s32 v2, v6  }
0x17d: {  	vm0 =	vgt.s32 v52, v7;
	vm2 =	vgt.s32 v8, v10;
	v2 =	vsel vm12, v2, v6  }
0x17e: {  	v5 =	vsel vm0, v7, v52;
	v6 =	vsel vm0, v52, v7;
	v7 =	vsel vm2, v10, v8  }
0x17f: {  	v8 =	vsel vm2, v8, v10;
	vm0 =	vlt.s32 v2, v6;
	vm2 =	vgt.s32 v7, v14  }
0x180: {  	vm13 =	vgt.s32 v5, v8;
	v10 =	vsel vm2, v14, v7;
	v7 =	vsel vm2, v7, v14  }
0x181: {  	v58 =	vsel vm13, v8, v5;
	v5 =	vsel vm13, v5, v8;
	v2 =	vsel vm0, v2, v6  }
0x182: {  	vm2 =	vgt.s32 v10, v44;
	vm14 =	vgt.s32 v58, v7;
	vm3 =	vlt.s32 v2, v5  }
0x183: {  	v8 =	vsel vm2, v44, v10;
	v10 =	vsel vm2, v10, v44;
	v59 =	vsel vm14, v7, v58  }
0x184: {  	v7 =	vsel vm14, v58, v7;
	vm0 =	vgt.s32 v59, v10;
	vm2 =	vgt.s32 v8, v3  }
0x185: {  	v2 =	vsel vm3, v2, v5;
	v6 =	vsel vm0, v10, v59;
	v61 =	vsel vm2, v3, v8  }
0x186: {  	v3 =	vsel vm2, v8, v3;
	v8 =	vnsel vm1, $0x40000000, v62;
	v10 =	vsel vm0, v59, v10  }
0x187: {  	vm0 =	vlt.f32 v11, v0;
	vm1 =	vlt.s32 v2, v7;
	vm2 =	vgt.s32 v61, v9  }
0x188: {  	vm15 =	vgt.s32 v6, v3;
	vm0 =	vmand vm6, vm0;
	v2 =	vsel vm1, v2, v7  }
0x189: {  	p1 =	sne.s32 s13, $0x7F;
	s11 =	sadd.s32 $0x1, s13;
	s13 =	sor.u32 $0xE0, s19;
	v63 =	vsel vm15, v3, v6;
	v3 =	vsel vm15, v6, v3;
	v5 =	vsel vm2, v61, v9  }
0x18a: {  	vm1 =	vlt.s32 v2, v10;
	v7 =	vsel vm2, v9, v61;
	v9 =	vor.u32 s13, v1  }
0x18b: {  	vm3 =	vgt.s32 v63, v5;
	v10 =	vsel vm1, v2, v10;
	vm1 =	vgt.s32 v7, v4  }
0x18c: {  	v2 =	vnsel vm0, $0x40000000, v9;
	v6 =	vsel vm3, v5, v63;
	v5 =	vsel vm3, v63, v5  }
0x18d: {  	vm0 =	vlt.s32 v10, v3;
	v9 =	vsel vm1, v4, v7;
	v4 =	vsel vm1, v7, v4  }
0x18e: {  	v3 =	vsel vm0, v10, v3;
	vm0 =	vgt.s32 v6, v4;
	vm1 =	vgt.s32 v9, v60  }
0x18f: {  	vm2 =	vlt.s32 v3, v5;
	v7 =	vsel vm1, v60, v9;
	v9 =	vsel vm1, v9, v60  }
0x190: {  	v3 =	vsel vm2, v3, v5;
	v5 =	vsel vm0, v6, v4;
	vm1 =	vgt.s32 v7, v8  }
0x191: {  	v4 =	vsel vm0, v4, v6;
	vm0 =	vlt.s32 v3, v5;
	v6 =	vsel vm1, v8, v7  }
0x192: {  	v3 =	vsel vm0, v3, v5;
	vm0 =	vgt.s32 v4, v9;
	v5 =	vsel vm1, v7, v8  }
.Ltmp5:
0x193: {  	v10 =	vsel vm0, v9, v4;
	v4 =	vsel vm0, v4, v9;
	vm0 =	vgt.s32 v6, v56;
	(pc) =	sbr.rel @p1 .LBB2_6-.Ltmp5, $4  }
0x194: {  	vm1 =	vlt.s32 v3, v4;
	vm2 =	vgt.s32 v10, v5;
	v7 =	vsel vm0, v56, v6  }
0x195: {  	v3 =	vsel vm1, v3, v4;
	v4 =	vsel vm2, v5, v10;
	v9 =	vsel vm2, v10, v5  }
0x196: {  	v5 =	vsel vm0, v6, v56;
	vm1 =	vgt.s32 v7, v2;
	vm2 =	vlt.s32 v3, v9  }
0x197: {  	s9 =	sadd.s32 $0x100, s9;
	s10 =	sor.u32 $0xF0, s19;
	s13 =	smov.u32 s11;
	v8 =	vld [tilespmem:s18+$0x570];
	vm0 =	vgt.s32 v4, v5;
	v6 =	vsel vm1, v2, v7;
	v3 =	vsel vm2, v3, v9  }
.Ltmp6:
0x198: {  	_ = 	snop;
	(pc) =	sbr.rel .LBB2_7-.Ltmp6, $1  }
0x199: {  	_ =	sdelay $0x3  }
.LBB2_9:
0x19a: {  	_ =	sfence.sel @p0 $0x180000  }
0x19b: {  	[bflag:$0x0] =	sbarrier.arrive @p0 $0xFFFF  }
0x19c: {  	_ =	strace @p0 $0x90000047  }
0x19d: {  	[bflag:$0x2] =	sbarrier.arrive @p0 $0xFFFF  }
0x19e: {  	_ =	shalt @p0  }
.LBB2_10:
0x19f: {  	s7 =	sshra.s32 s9, $0x13  }
0x1a0: {  	s4 =	sshll.u32 s7, $0xA  }
0x1a1: {  	s6 =	sand.u32 $0xFFF80000, s10;
	s11 =	sshll.u32 s7, $0x7;
	s4 =	sand.u32 $0xFFFFE000, s4  }
0x1a2: {  	s5 =	sshra.s32 s8, $0x13;
	s15 =	sand.u32 $0x380, s11;
	s4 =	sadd.s32 s6, s4  }
0x1a3: {  	s16 =	sshll.u32 s5, $0x3;
	s12 =	sand.u32 $0x70, s5;
	s4 =	sor.u32 s15, s4  }
0x1a4: {  	s17 =	sand.u32 $0xFFFFFC00, s16;
	s4 =	sor.u32 s12, s4  }
0x1a5: {  	s4 =	sadd.s32 s17, s4  }
0x1a6: {  	s6 =	sshrl.u32 s4, $0x3  }
0x1a7: {  	s19 =	simm.s32 $0x8180;
	s4 =	simm.s32 $0x0;
	s18 =	sadd.s32 s3, s6  }
0x1a8: {  	[tilespmem:s19], [sflag:$0x1] =	stream.linear.gather [hbm4b:s18+s4], $0x10, $0x38;
	[tilespmem:$0x8380] =	vst v63  }
0x1a9: {  	s20 =	sshrl.u32 s10, $0xA;
	s21 =	simm.s32 $0x8190;
	s6 =	sadd.s32 s2, s6  }
0x1aa: {  	[tilespmem:s21], [sflag:$0x1] =	stream.linear.gather [hbm4b:s6+s4], $0x10, $0x38;
	[tilespmem:$0x8380] =	vst v63  }
0x1ab: {  	s22 =	sshrl.u32 s9, $0x3;
	s6 =	sand.u32 $0x1FF, s20  }
0x1ac: {  	s14 =	sand.u32 $0x7E000, s9;
	s16 =	sshrl.u32 s8, $0xA;
	s11 =	smin.u32 s6, $0xF  }
0x1ad: {  	s15 =	sshrl.u32 s8, $0x7;
	s12 =	sand.u32 $0x380, s22;
	s13 =	sshll.u32 s11, $0x13  }
0x1ae: {  	s23 =	sand.u32 $0xC00, s15;
	s17 =	sand.u32 $0x70, s16;
	s13 =	sor.u32 s13, s14  }
0x1af: {  	s12 =	sor.u32 s17, s12;
	s13 =	sor.u32 s23, s13  }
0x1b0: {  	s12 =	sor.u32 s12, s13  }
0x1b1: {  	s25 =	simm.s32 $0x81A0;
	s26 =	simm.s32 $0x81B0;
	s24 =	sshrl.u32 s12, $0x3  }
0x1b2: {  	s15 =	sand.u32 $0x3FF, s10;
	s13 =	sand.u32 $0x3FF, s9;
	s12 =	sadd.s32 s3, s24  }
0x1b3: {  	[tilespmem:s25], [sflag:$0x1] =	stream.linear.gather [hbm4b:s12+s4], $0x10, $0x38;
	[tilespmem:$0x8380] =	vst v63  }
0x1b4: {  	s20 =	sshll.u32 s8, $0x3;
	s14 =	sadd.s32 s2, s24;
	s12 =	smin.u32 s13, $0x1FF  }
0x1b5: {  	[tilespmem:s26], [sflag:$0x1] =	stream.linear.gather [hbm4b:s14+s4], $0x10, $0x38;
	[tilespmem:$0x8380] =	vst v63  }
0x1b6: {  	s21 =	sand.u32 $0x70, s8;
	s18 =	sshll.u32 s12, $0xA;
	s14 =	smin.u32 s15, $0xF  }
0x1b7: {  	s28 =	sshll.u32 s12, $0x7;
	s18 =	sand.u32 $0x7E000, s18;
	s19 =	sshll.u32 s14, $0x13  }
0x1b8: {  	s29 =	sand.u32 $0x1C00, s20;
	s17 =	sand.u32 $0x380, s28;
	s18 =	sor.u32 s19, s18  }
0x1b9: {  	s17 =	sor.u32 s17, s21;
	s18 =	sor.u32 s29, s18  }
0x1ba: {  	s17 =	sor.u32 s17, s18  }
0x1bb: {  	s17 =	sshrl.u32 s17, $0x3  }
0x1bc: {  	s31 =	simm.s32 $0x81C0;
	s30 =	sadd.s32 s3, s17  }
0x1bd: {  	[tilespmem:s31], [sflag:$0x1] =	stream.linear.gather [hbm4b:s30+s4], $0x10, $0x38;
	[tilespmem:$0x8380] =	vst v63  }
0x1be: {  	s18 =	simm.s32 $0x1;
	s3 =	sadd.s32 s2, s17;
	s17 =	simm.s32 $0x81D0  }
0x1bf: {  	[tilespmem:s17], [sflag:$0x1] =	stream.linear.gather [hbm4b:s3+s4], $0x10, $0x38;
	[tilespmem:$0x8380] =	vst v63  }
0x1c0: {  	_ =	swait.ge [sflag:s18], $0x10  }
0x1c1: {  	[sflag:s18] =	ssyncset.done $0x0  }
0x1c2: {  	[sflag:s18] =	ssyncadd.s32 $0xFFFFFFF0  }
0x1c3: {  	_ =	swait.ge [sflag:s18], $0x10  }
0x1c4: {  	[sflag:s18] =	ssyncset.done $0x0  }
0x1c5: {  	[sflag:s18] =	ssyncadd.s32 $0xFFFFFFF0  }
0x1c6: {  	_ =	swait.ge [sflag:s18], $0x10  }
0x1c7: {  	[sflag:s18] =	ssyncset.done $0x0  }
0x1c8: {  	[sflag:s18] =	ssyncadd.s32 $0xFFFFFFF0  }
0x1c9: {  	_ =	swait.ge [sflag:s18], $0x10  }
0x1ca: {  	[sflag:s18] =	ssyncset.done $0x0  }
0x1cb: {  	[sflag:s18] =	ssyncadd.s32 $0xFFFFFFF0  }
0x1cc: {  	_ =	swait.ge [sflag:s18], $0x10  }
0x1cd: {  	[sflag:s18] =	ssyncset.done $0x0  }
0x1ce: {  	[sflag:s18] =	ssyncadd.s32 $0xFFFFFFF0  }
0x1cf: {  	_ =	swait.ge [sflag:s18], $0x10  }
0x1d0: {  	[sflag:s18] =	ssyncset.done $0x0  }
0x1d1: {  	[sflag:s18] =	ssyncadd.s32 $0xFFFFFFF0  }
0x1d2: {  	v0 =	vld [tilespmem:$0x8180]  }
0x1d3: {  	v1 =	vld [tilespmem:$0x8190]  }
0x1d4: {  	v2 =	vld [tilespmem:$0x81A0]  }
0x1d5: {  	v60 =	vld [tilespmem:$0x81B0]  }
0x1d6: {  	v61 =	vld [tilespmem:$0x81C0]  }
0x1d7: {  	s19 =	sand.u32 $0xF, s5;
	v5 =	vld [tilespmem:$0x81D0];
	[tilespmem:$0x8200] =	vst v0  }
0x1d8: {  	v0 =	vld [tilespmem:s19+$0x8200];
	[tilespmem:$0x8200] =	vst v1  }
0x1d9: {  	s20 =	sand.u32 $0xF, s16;
	v3 =	vld [tilespmem:s19+$0x8200];
	[tilespmem:$0x8200] =	vst v2  }
0x1da: {  	v4 =	vld [tilespmem:s20+$0x8200];
	[tilespmem:$0x8200] =	vst v60  }
0x1db: {  	s21 =	sand.u32 $0xF, s8;
	v1 =	vld [tilespmem:s20+$0x8200];
	[tilespmem:$0x8200] =	vst v61  }
0x1dc: {  	v2 =	vld [tilespmem:s21+$0x8200];
	[tilespmem:$0x8200] =	vst v5  }
0x1dd: {  	(v2sf) =	vpush v0, $0x0;
	v62 =	vld [tilespmem:s21+$0x8200]  }
0x1de: {  	(v2sf) =	vpush v3, $0x0  }
0x1df: {  	(v2sf) =	vpush v4, $0x0  }
0x1e0: {  	(v2sf) =	vpush v1, $0x0  }
0x1e1: {  	(v2sf) =	vpush v2, $0x0  }
0x1e2: {  	(v2sf) =	vpush v62, $0x0;
	_ =	sdelay $0x9  }
0x1e3: {  	s16 =	sand.u32 $0x1FF, s16;
	s22 =	spop (v2sf)  }
0x1e4: {  	p0 =	seq.s32 s5, s16;
	s26 =	sshrl.u32 s9, $0xA;
	s23 =	spop (v2sf)  }
0x1e5: {  	s25 =	sshra.s32 s10, $0x13;
	s9 =	sand.u32 $0x1FF, s26;
	s17 =	spop (v2sf)  }
0x1e6: {  	p2 =	seq.s32 s7, s12;
	p1 =	seq.s32 s7, s9;
	s24 =	spop (v2sf)  }
0x1e7: {  	s29 =	sand.u32 $0x3FF, s8;
	s2 =	ssub.f32 s22, s23;
	s19 =	spop (v2sf)  }
0x1e8: {  	s21 =	smov.u32 s17;
	s18 =	ssub.f32 s17, s24;
	s28 =	spop (v2sf)  }
0x1e9: {  	s2 =	sand.u32 $0x7FFFFFFF, s2;
	s7 =	smov.u32 s19;
	s20 =	ssub.f32 s19, s28  }
0x1ea: {  	s10 =	smov.u32 s19;
	s3 =	sand.u32 $0x7FFFFFFF, s18;
	s18 =	smov.u32 s17  }
0x1eb: {  	s18 =	smov.u32 @p0 s3;
	p0 =	slt.u32 s6, $0x10;
	s20 =	sand.u32 $0x7FFFFFFF, s20  }
0x1ec: {  	s21 =	smov.u32 @p1 s18;
	p1 =	seq.s32 s25, s11;
	s7 =	smov.u32 @p2 s20  }
0x1ed: {  	p2 =	seq.s32 s25, s14;
	s17 =	smov.u32 @p1 s21;
	p1 =	seq.s32 s5, s29  }
0x1ee: {  	s10 =	smov.u32 @p2 s7;
	s17 =	smov.u32 @p0 s3;
	p2 =	slt.u32 s13, $0x200  }
0x1ef: {  	p0 =	seq.s32 s29, s16;
	s19 =	smov.u32 @p1 s10;
	s5 =	smov.u32 s17  }
0x1f0: {  	p1 =	slt.u32 s15, $0x10;
	s7 =	smov.u32 s19;
	s5 =	smov.u32 @p0 s3  }
0x1f1: {  	s3 =	smov.u32 s17;
	s7 =	smov.u32 @p2 s20;
	p2 =	seq.s32 s13, s9  }
0x1f2: {  	s3 =	smov.u32 @p2 s5;
	p2 =	seq.s32 s15, s11;
	s19 =	smov.u32 @p1 s7  }
0x1f3: {  	p1 =	seq.s32 s6, s14;
	s17 =	smov.u32 @p2 s3;
	s3 =	smov.u32 s19  }
0x1f4: {  	p2 =	seq.s32 s9, s12;
	s5 =	smov.u32 s19;
	s3 =	smov.u32 @p0 s20  }
0x1f5: {  	p0 =	slt.f32 s2, $1.000000000e+00;
	s5 =	smov.u32 @p2 s3;
	p2 =	slt.f32 s17, $1.000000000e+00  }
0x1f6: {  	s2 =	simm.f32 $1.000000000e+00;
	s3 =	simm.f32 $1.000000000e+00;
	s19 =	smov.u32 @p1 s5  }
0x1f7: {  	s2 =	simm.s32 @!p0 $0x0;
	s3 =	simm.s32 @!p2 $0x0;
	p0 =	slt.f32 s19, $1.000000000e+00  }
0x1f8: {  	s5 =	simm.f32 $1.000000000e+00;
	s2 =	sadd.f32 s3, s2  }
0x1f9: {  	s5 =	simm.s32 @!p0 $0x0  }
0x1fa: {  	s2 =	sadd.f32 s5, s2;
	_ =	sdelay $0x1  }
0x1fb: {  	s2 =	smul.f32 $-3.333333430e-01, s2;
	_ =	sdelay $0x1  }
0x1fc: {  	s2 =	sadd.f32 $1.000000000e+00, s2;
	_ =	sdelay $0x1  }
0x1fd: {  	s2 =	smul.f32 $1.000000000e+02, s2;
	_ =	sdelay $0x1  }
0x1fe: {  	v63 =	vmov s2  }
0x1ff: {  	v0 =	vadd.f32 $0.0e+00, v63;
	_ =	sdelay $0x1  }
0x200: {  	v0 =	vbroadcast v0, $0x0;
	_ =	sdelay $0x1  }
0x201: {  	s30 =	simm.s32 $0x8300;
	s31 =	simm.s32 $0x2;
	[tilespmem:$0x8300] =	vst v0  }
0x202: {  	[hbm4b:s1+s4] =	stream.linear.scatter [tilespmem:s30], [sflag:$0x2], $0x80, $0x38;
	[tilespmem:$0x8380] =	vst v63  }
0x203: {  	_ =	swait.ge [sflag:s31], $0x80  }
0x204: {  	[sflag:s31] =	ssyncset.done $0x0  }
0x205: {  	[sflag:s31] =	ssyncadd.s32 $0xFFFFFF80  }
0x206: {  	_ =	sfence.sel $0x180000  }
0x207: {  	[bflag:$0x0] =	sbarrier.arrive $0xFFFF  }
0x208: {  	_ =	strace $0x90000047  }
0x209: {  	s0 =	sadd.s32 $0x100000, s0;
	[bflag:$0x2] =	sbarrier.arrive $0xFFFF  }
0x20a: {  	[sflag:s0] =	ssyncadd.tile.s32 $0x1;
	_ =	shalt  }
.Lfunc_end2:
_tile_overlayer_lowered:
.L_overlay_start_2:
0x20b: {  	(tag) =	ssettag $0x2  }
0x20c: {  	s0 =	rddreg [dreg:$0x0];
	s2 =	stileid.u32  }
0x20d: {  	s1 =	rddreg [dreg:$0x1];
	p0 =	sne.s32 s2, $0x0  }
0x20e: {  	s3 =	rddreg [dreg:$0x2];
	[bflag:$0x3] =	sbarrier.arrive $0xFFFF;
	s2 =	simm.s32 @!p0 $0x1C02  }
0x20f: {  	[timem:s3], [sflag:s2] =	dma.local @!p0 [hbm:s0], s1  }
0x210: {  	s0 =	simm.s32 @!p0 $0x2  }
0x211: {  	_ =	swait.ge @!p0 [sflag:s0], s1  }
0x212: {  	s1 =	ssub.s32 @!p0 $0x0, s1;
	[sflag:s0] =	ssyncset.done @!p0 $0x0  }
0x213: {  	[sflag:s0] =	ssyncadd.s32 @!p0 s1  }
0x214: {  	[bflag:$0x3] =	sbarrier.arrive $0xFFFF  }
0x215: {  	_ =	shalt  }

</sc_bundles>
